<compile_context>
chip_gen: v7x
topology: tpu7x:2x2x1
jax: 0.10.2.dev20260603
libtpu: 0.0.44.dev20260713+nightly
codegen_flags: <defaults>
</compile_context>

<pallas_src>
import functools

import jax
import jax.numpy as jnp
from jax import lax
from jax.experimental import pallas as pl
from jax.experimental.pallas import tpu as pltpu
from jax.experimental.pallas import tpu_sc as plsc

N = 4096
DIM_IN = 384
DIM_H = 64
TOPK = 6
ROW_BLK = 256
NUM_BLKS = N // ROW_BLK
NEG = -1e30

_NUM_SC_CORES = 2
_NW = 32
_B_PER_W = (TOPK * N) // _NW
_CHUNK = 128
_N_CHUNKS = _B_PER_W // _CHUNK


def _leaky(v):
    return jnp.where(v >= 0, v, 0.01 * v)


def _mean_rows(x):
    xr = x.reshape(N // 128, 16, 8, DIM_H)
    acc = jnp.zeros((16, 8, DIM_H), jnp.float32)
    for k in range(N // 128):
        acc = acc + xr[k]
    s = acc[0]
    for u in range(1, 16):
        s = s + acc[u]
    s = s[:4] + s[4:]
    s = s[:2] + s[2:]
    s = s[0:1] + s[1:2]
    return s * (1.0 / N)


def _front_body(feats_ref, w1t_ref, b1_ref, wht_ref, bh_ref, wtt_ref, bt_ref,
                eh_o, et_o, w_o, idx_o, xraw_s, eh_s, et_s):
    i = pl.program_id(0)

    @pl.when(i == 0)
    def _prologue():
        for b in range(NUM_BLKS):
            rows_b = pl.ds(b * ROW_BLK, ROW_BLK)
            v = jnp.dot(feats_ref[rows_b, :], w1t_ref[...],
                        preferred_element_type=jnp.float32) + b1_ref[...]
            xraw_s[rows_b, :] = _leaky(v)
        xm = _mean_rows(xraw_s[...])
        x = (xraw_s[...] + xm) * 0.5
        eh_s[...] = jnp.dot(x, wht_ref[...],
                            preferred_element_type=jnp.float32) + bh_ref[...]
        et_s[...] = jnp.dot(x, wtt_ref[...],
                            preferred_element_type=jnp.float32) + bt_ref[...]
        eh_o[...] = eh_s[...]
        et_o[...] = et_s[...]

    rows = pl.ds(i * ROW_BLK, ROW_BLK)
    e_h = eh_s[rows, :]
    e_t = et_s[...]
    scale = DIM_H ** (-0.5)
    logits = lax.dot_general(e_h * scale, e_t,
                             (((1,), (1,)), ((), ())),
                             preferred_element_type=jnp.float32)

    iota = lax.broadcasted_iota(jnp.int32, (ROW_BLK, N), 1)
    ws = []
    idxs = []
    for _ in range(TOPK):
        m = jnp.max(logits, axis=1, keepdims=True)
        idx = jnp.min(jnp.where(logits == m, iota, N), axis=1,
                      keepdims=True)
        ws.append(m)
        idxs.append(idx)
        logits = jnp.where(iota == idx, NEG, logits)
    w_o[...] = jnp.concatenate(ws, axis=1)
    idx_o[...] = jnp.concatenate(idxs, axis=1)


def _sc_gather(table, idx_flat):
    mesh = plsc.VectorSubcoreMesh(core_axis_name="c", subcore_axis_name="s")

    @functools.partial(
        pl.kernel, mesh=mesh,
        compiler_params=pltpu.CompilerParams(use_tc_tiling_on_sc=False),
        out_type=jax.ShapeDtypeStruct((TOPK * N, DIM_H), jnp.float32),
        scratch_types=[
            pltpu.VMEM((_B_PER_W,), jnp.int32),
            pltpu.VMEM((_B_PER_W, DIM_H), jnp.float32),
            pltpu.SemaphoreType.DMA,
        ],
    )
    def gather_kernel(table_hbm, idx_hbm, out_hbm, idx_v, rows_v, sem):
        wid = lax.axis_index("s") * _NUM_SC_CORES + lax.axis_index("c")
        base = wid * _B_PER_W
        pltpu.sync_copy(idx_hbm.at[pl.ds(base, _B_PER_W)], idx_v)
        copies = []
        for c in range(_N_CHUNKS):
            copies.append(pltpu.async_copy(
                table_hbm.at[idx_v.at[pl.ds(c * _CHUNK, _CHUNK)]],
                rows_v.at[pl.ds(c * _CHUNK, _CHUNK), :], sem))
        for cp in copies:
            cp.wait()
        pltpu.sync_copy(rows_v, out_hbm.at[pl.ds(base, _B_PER_W)])

    return gather_kernel(table, idx_flat)


def _tail_body(eh_ref, w_ref, nb_ref,
               wl1t_ref, bl1_ref, wl2t_ref, bl2_ref,
               gamma_ref, beta_ref, wct_ref, bc_ref,
               out_ref, acc_s):
    i = pl.program_id(0)

    @pl.when(i == 0)
    def _init():
        acc_s[...] = jnp.zeros_like(acc_s)

    e_h = eh_ref[...]
    w = w_ref[...]
    nbs = [nb_ref[j] for j in range(TOPK)]

    exps = jnp.exp(w - w[:, 0:1])
    z = jnp.sum(exps, axis=1, keepdims=True)
    ps = [exps[:, j:j + 1] / z for j in range(TOPK)]

    kas = []
    for p, nb in zip(ps, nbs):
        eh_r = p * nb + (1.0 - p) * e_h
        gate = jnp.tanh(e_h + eh_r)
        kas.append(jnp.sum(nb, axis=1, keepdims=True) *
                   jnp.sum(gate, axis=1, keepdims=True))
    ka_max = functools.reduce(jnp.maximum, kas)
    qs = [jnp.exp(ka - ka_max) for ka in kas]
    qz = functools.reduce(jnp.add, qs)
    e_nh = functools.reduce(
        jnp.add, [(q / qz) * nb for q, nb in zip(qs, nbs)])

    sum_emb = _leaky(jnp.dot(e_h + e_nh, wl1t_ref[...],
                             preferred_element_type=jnp.float32) + bl1_ref[...])
    bi_emb = _leaky(jnp.dot(e_h * e_nh, wl2t_ref[...],
                            preferred_element_type=jnp.float32) + bl2_ref[...])
    emb = sum_emb + bi_emb
    acc_s[...] += jnp.sum(emb, axis=0, keepdims=True)

    @pl.when(i == NUM_BLKS - 1)
    def _epilogue():
        h = acc_s[...] / N
        mu = jnp.mean(h, axis=1, keepdims=True)
        var = jnp.mean((h - mu) ** 2, axis=1, keepdims=True)
        hn = (h - mu) / jnp.sqrt(var + 1e-5) * gamma_ref[...] + beta_ref[...]
        out_ref[...] = jnp.dot(hn, wct_ref[...],
                               preferred_element_type=jnp.float32) + bc_ref[...]


def kernel(feats, W1, b1, Wh, bh, Wt, bt, Wl1, bl1, Wl2, bl2, gamma, beta, Wc, bc):
    f2 = feats.reshape(N, DIM_IN)

    full = lambda s: pl.BlockSpec(s, lambda i: tuple(0 for _ in s))
    e_h, e_t, w, idx = pl.pallas_call(
        _front_body,
        grid=(NUM_BLKS,),
        in_specs=[
            full((N, DIM_IN)),
            full((DIM_IN, DIM_H)), full((1, DIM_H)),
            full((DIM_H, DIM_H)), full((1, DIM_H)),
            full((DIM_H, DIM_H)), full((1, DIM_H)),
        ],
        out_specs=[full((N, DIM_H)), full((N, DIM_H)),
                   pl.BlockSpec((ROW_BLK, TOPK), lambda i: (i, 0)),
                   pl.BlockSpec((ROW_BLK, TOPK), lambda i: (i, 0))],
        out_shape=[jax.ShapeDtypeStruct((N, DIM_H), jnp.float32),
                   jax.ShapeDtypeStruct((N, DIM_H), jnp.float32),
                   jax.ShapeDtypeStruct((N, TOPK), jnp.float32),
                   jax.ShapeDtypeStruct((N, TOPK), jnp.int32)],
        scratch_shapes=[
            pltpu.VMEM((N, DIM_H), jnp.float32),
            pltpu.VMEM((N, DIM_H), jnp.float32),
            pltpu.VMEM((N, DIM_H), jnp.float32),
        ],
    )(f2, W1.T, b1.reshape(1, DIM_H),
      Wh.T, bh.reshape(1, DIM_H), Wt.T, bt.reshape(1, DIM_H))

    idx_flat = idx.T.reshape(TOPK * N)
    nb = _sc_gather(e_t, idx_flat)
    nb3 = nb.reshape(TOPK, N, DIM_H)

    out = pl.pallas_call(
        _tail_body,
        grid=(NUM_BLKS,),
        in_specs=[
            pl.BlockSpec((ROW_BLK, DIM_H), lambda i: (i, 0)),
            pl.BlockSpec((ROW_BLK, TOPK), lambda i: (i, 0)),
            pl.BlockSpec((TOPK, ROW_BLK, DIM_H), lambda i: (0, i, 0)),
            full((DIM_H, DIM_H)), full((1, DIM_H)),
            full((DIM_H, DIM_H)), full((1, DIM_H)),
            full((1, DIM_H)), full((1, DIM_H)),
            full((DIM_H, 2)), full((1, 2)),
        ],
        out_specs=full((1, 2)),
        out_shape=jax.ShapeDtypeStruct((1, 2), jnp.float32),
        scratch_shapes=[
            pltpu.VMEM((1, DIM_H), jnp.float32),
        ],
    )(e_h, w, nb3,
      Wl1.T, bl1.reshape(1, DIM_H), Wl2.T, bl2.reshape(1, DIM_H),
      gamma.reshape(1, DIM_H), beta.reshape(1, DIM_H),
      Wc.T, bc.reshape(1, 2))
    return out

# --- scband reference (transcript-rebuilt; emitter-appended) ---
"""Pipeline reference for scband-wi-kg-81862076662087 (READ-ONLY COPY).

The authoritative reference and input builder live on the scoring server;
editing this copy changes nothing except your own understanding.
"""

import jax, jax.numpy as jnp
import numpy as np

DIM_IN = 384
DIM_H = 64
NUM_CLASSES = 2
TOPK = 6
N = 4096
B = 1


def setup_inputs(seed: int = 0) -> dict:
    key = jax.random.key(seed)
    ks = [jax.random.fold_in(key, i) for i in range(16)]
    inp = {}
    inp['feats'] = jax.random.normal(ks[0], (B, N, DIM_IN), dtype=jnp.float32)
    inp['W1'] = jax.random.normal(ks[1], (DIM_H, DIM_IN), dtype=jnp.float32) * 0.05
    inp['b1'] = jnp.zeros((DIM_H,), dtype=jnp.float32)
    inp['Wh'] = jax.random.normal(ks[2], (DIM_H, DIM_H), dtype=jnp.float32) * 0.05
    inp['bh'] = jnp.zeros((DIM_H,), dtype=jnp.float32)
    inp['Wt'] = jax.random.normal(ks[3], (DIM_H, DIM_H), dtype=jnp.float32) * 0.05
    inp['bt'] = jnp.zeros((DIM_H,), dtype=jnp.float32)
    inp['Wl1'] = jax.random.normal(ks[4], (DIM_H, DIM_H), dtype=jnp.float32) * 0.05
    inp['bl1'] = jnp.zeros((DIM_H,), dtype=jnp.float32)
    inp['Wl2'] = jax.random.normal(ks[5], (DIM_H, DIM_H), dtype=jnp.float32) * 0.05
    inp['bl2'] = jnp.zeros((DIM_H,), dtype=jnp.float32)
    inp['gamma'] = jnp.ones((DIM_H,), dtype=jnp.float32)
    inp['beta'] = jnp.zeros((DIM_H,), dtype=jnp.float32)
    inp['Wc'] = jax.random.normal(ks[6], (NUM_CLASSES, DIM_H), dtype=jnp.float32) * 0.05
    inp['bc'] = jnp.zeros((NUM_CLASSES,), dtype=jnp.float32)
    return inp


def reference(feats, W1, b1, Wh, bh, Wt, bt, Wl1, bl1, Wl2, bl2, gamma, beta, Wc, bc):
    # _fc1: Linear + LeakyReLU
    x = jax.nn.leaky_relu(feats @ W1.T + b1, negative_slope=0.01)
    x = (x + jnp.mean(x, axis=1, keepdims=True)) * 0.5
    e_h = x @ Wh.T + bh
    e_t = x @ Wt.T + bt
    scale = DIM_H ** (-0.5)
    attn_logit = (e_h * scale) @ jnp.swapaxes(e_t, -2, -1)  # [B, N, N]
    topk_weight, topk_index = jax.lax.top_k(attn_logit, TOPK)  # [B, N, k]
    # gather neighbor tails: Nb_h[b, i, j, :] = e_t[b, topk_index[b, i, j], :]
    Nb_h = jax.vmap(lambda et, idx: jnp.take(et, idx, axis=0))(e_t, topk_index)  # [B, N, k, H]
    topk_prob = jax.nn.softmax(topk_weight, axis=2)
    eh_r = topk_prob[..., None] * Nb_h + (1.0 - topk_prob)[..., None] * e_h[:, :, None, :]
    e_h_expand = jnp.broadcast_to(e_h[:, :, None, :], Nb_h.shape)
    gate = jnp.tanh(e_h_expand + eh_r)
    ka_weight = jnp.einsum('ijkl,ijkm->ijk', Nb_h, gate)
    ka_prob = jax.nn.softmax(ka_weight, axis=2)[:, :, None, :]  # [B, N, 1, k]
    e_Nh = jnp.matmul(ka_prob, Nb_h).squeeze(2)  # [B, N, H]
    # bi-interaction aggregation
    sum_embedding = jax.nn.leaky_relu((e_h + e_Nh) @ Wl1.T + bl1, negative_slope=0.01)
    bi_embedding = jax.nn.leaky_relu((e_h * e_Nh) @ Wl2.T + bl2, negative_slope=0.01)
    embedding = sum_embedding + bi_embedding
    # dropout is identity in eval; readout = global mean pool over nodes
    h = jnp.mean(embedding[0], axis=0, keepdims=True)  # [1, H]
    # squeeze(1) is a no-op for H != 1
    mu = jnp.mean(h, axis=-1, keepdims=True)
    var = jnp.var(h, axis=-1, keepdims=True)
    h = (h - mu) / jnp.sqrt(var + 1e-5) * gamma + beta
    logits = h @ Wc.T + bc
    return logits

if __name__ == "__main__":
    import jax
    _d = setup_inputs()
    print(jax.jit(kernel)(*tuple(_d.values())))

</pallas_src>

<mosaic_0001>
#map = affine_map<(d0, d1) -> (0, 0)>
#map1 = affine_map<(d0, d1) -> (0)>
module attributes {stable_mosaic.version = 14 : i64} {
  func.func @gather_kernel(%arg0: i32, %arg1: i32, %arg2: memref<4096x64xf32, #tpu.memory_space<hbm>>, %arg3: memref<24576xi32, #tpu.memory_space<hbm>>, %arg4: memref<24576x64xf32, #tpu.memory_space<hbm>>, %arg5: memref<768xi32, #tpu.memory_space<vmem>>, %arg6: memref<768x64xf32, #tpu.memory_space<vmem>>, %arg7: memref<!tpu.dma_semaphore, #tpu.memory_space<semaphore_mem>>) attributes {dimension_semantics = [#tpu.dimension_semantics<core_parallel>, #tpu.dimension_semantics<subcore_parallel>], iteration_bounds = array<i64: 2, 16>, scalar_prefetch = 0 : i64, scratch_operands = 3 : i64, tpu.core_type = #tpu.core_type<sc_vector_subcore>, window_params = [{transform_indices = #map}, {transform_indices = #map1}, {transform_indices = #map}]} {
    %mul3A = arith.constant 2 : i32
    %mul3A_0 = arith.muli %arg1, %mul3A : i32
    %add3A = arith.addi %mul3A_0, %arg0 : i32
    %mul3A_1 = arith.constant 768 : i32
    %mul3A_2 = arith.muli %add3A, %mul3A_1 : i32
    "tpu.region"() ({
      %run_scoped3A = tpu.sem_alloc : memref<!tpu.dma_semaphore, #tpu.memory_space<semaphore_mem>>
      %dma_start3A_97 = tpu.memref_slice %arg3[%mul3A_2] : memref<24576xi32, #tpu.memory_space<hbm>> -> memref<768xi32, #tpu.memory_space<hbm>>
      %dma_start3A_98 = tpu.memref_slice %arg3[%mul3A_2] : memref<24576xi32, #tpu.memory_space<hbm>> -> memref<768xi32, #tpu.memory_space<hbm>>
      tpu.enqueue_dma source(%dma_start3A_98 : memref<768xi32, #tpu.memory_space<hbm>>) target(%arg5 : memref<768xi32, #tpu.memory_space<vmem>>) target_semaphore(%run_scoped3A : memref<!tpu.dma_semaphore, #tpu.memory_space<semaphore_mem>>)
      %dma_wait3A_99 = tpu.memref_slice %arg3[%mul3A_2] : memref<24576xi32, #tpu.memory_space<hbm>> -> memref<768xi32, #tpu.memory_space<hbm>>
      %dma_wait3A_100 = tpu.memref_slice %arg3[%mul3A_2] : memref<24576xi32, #tpu.memory_space<hbm>> -> memref<768xi32, #tpu.memory_space<hbm>>
      tpu.wait_dma2 semaphore(%run_scoped3A : memref<!tpu.dma_semaphore, #tpu.memory_space<semaphore_mem>>) src(%dma_wait3A_100 : memref<768xi32, #tpu.memory_space<hbm>>) dst(%arg5 : memref<768xi32, #tpu.memory_space<vmem>>)
      tpu.yield
    }) : () -> ()
    %dma_start3A = arith.constant 0 : i32
    %dma_start3A_3 = arith.constant 0 : i32
    %dma_start3A_4 = tpu.memref_slice %arg6[%dma_start3A, %dma_start3A_3] : memref<768x64xf32, #tpu.memory_space<vmem>> -> memref<128x64xf32, #tpu.memory_space<vmem>>
    %dma_start3A_5 = arith.constant 0 : i32
    %dma_start3A_6 = tpu.memref_slice %arg5[%dma_start3A_5] : memref<768xi32, #tpu.memory_space<vmem>> -> memref<128xi32, #tpu.memory_space<vmem>>
    %dma_start3A_7 = arith.constant 0 : i32
    %dma_start3A_8 = arith.constant 0 : i32
    %dma_start3A_9 = tpu.memref_slice %arg2[%dma_start3A_7, %dma_start3A_8] : memref<4096x64xf32, #tpu.memory_space<hbm>> -> memref<4096x64xf32, #tpu.memory_space<hbm>>
    tpu.enqueue_indirect_dma source(%dma_start3A_9 : memref<4096x64xf32, #tpu.memory_space<hbm>>) target(%dma_start3A_4 : memref<128x64xf32, #tpu.memory_space<vmem>>) offsets(%dma_start3A_6 : memref<128xi32, #tpu.memory_space<vmem>>) semaphore(%arg7 : memref<!tpu.dma_semaphore, #tpu.memory_space<semaphore_mem>>)
    %dma_start3A_10 = arith.constant 128 : i32
    %dma_start3A_11 = arith.constant 0 : i32
    %dma_start3A_12 = tpu.memref_slice %arg6[%dma_start3A_10, %dma_start3A_11] : memref<768x64xf32, #tpu.memory_space<vmem>> -> memref<128x64xf32, #tpu.memory_space<vmem>>
    %dma_start3A_13 = arith.constant 128 : i32
    %dma_start3A_14 = tpu.memref_slice %arg5[%dma_start3A_13] : memref<768xi32, #tpu.memory_space<vmem>> -> memref<128xi32, #tpu.memory_space<vmem>>
    %dma_start3A_15 = arith.constant 0 : i32
    %dma_start3A_16 = arith.constant 0 : i32
    %dma_start3A_17 = tpu.memref_slice %arg2[%dma_start3A_15, %dma_start3A_16] : memref<4096x64xf32, #tpu.memory_space<hbm>> -> memref<4096x64xf32, #tpu.memory_space<hbm>>
    tpu.enqueue_indirect_dma source(%dma_start3A_17 : memref<4096x64xf32, #tpu.memory_space<hbm>>) target(%dma_start3A_12 : memref<128x64xf32, #tpu.memory_space<vmem>>) offsets(%dma_start3A_14 : memref<128xi32, #tpu.memory_space<vmem>>) semaphore(%arg7 : memref<!tpu.dma_semaphore, #tpu.memory_space<semaphore_mem>>)
    %dma_start3A_18 = arith.constant 256 : i32
    %dma_start3A_19 = arith.constant 0 : i32
    %dma_start3A_20 = tpu.memref_slice %arg6[%dma_start3A_18, %dma_start3A_19] : memref<768x64xf32, #tpu.memory_space<vmem>> -> memref<128x64xf32, #tpu.memory_space<vmem>>
    %dma_start3A_21 = arith.constant 256 : i32
    %dma_start3A_22 = tpu.memref_slice %arg5[%dma_start3A_21] : memref<768xi32, #tpu.memory_space<vmem>> -> memref<128xi32, #tpu.memory_space<vmem>>
    %dma_start3A_23 = arith.constant 0 : i32
    %dma_start3A_24 = arith.constant 0 : i32
    %dma_start3A_25 = tpu.memref_slice %arg2[%dma_start3A_23, %dma_start3A_24] : memref<4096x64xf32, #tpu.memory_space<hbm>> -> memref<4096x64xf32, #tpu.memory_space<hbm>>
    tpu.enqueue_indirect_dma source(%dma_start3A_25 : memref<4096x64xf32, #tpu.memory_space<hbm>>) target(%dma_start3A_20 : memref<128x64xf32, #tpu.memory_space<vmem>>) offsets(%dma_start3A_22 : memref<128xi32, #tpu.memory_space<vmem>>) semaphore(%arg7 : memref<!tpu.dma_semaphore, #tpu.memory_space<semaphore_mem>>)
    %dma_start3A_26 = arith.constant 384 : i32
    %dma_start3A_27 = arith.constant 0 : i32
    %dma_start3A_28 = tpu.memref_slice %arg6[%dma_start3A_26, %dma_start3A_27] : memref<768x64xf32, #tpu.memory_space<vmem>> -> memref<128x64xf32, #tpu.memory_space<vmem>>
    %dma_start3A_29 = arith.constant 384 : i32
    %dma_start3A_30 = tpu.memref_slice %arg5[%dma_start3A_29] : memref<768xi32, #tpu.memory_space<vmem>> -> memref<128xi32, #tpu.memory_space<vmem>>
    %dma_start3A_31 = arith.constant 0 : i32
    %dma_start3A_32 = arith.constant 0 : i32
    %dma_start3A_33 = tpu.memref_slice %arg2[%dma_start3A_31, %dma_start3A_32] : memref<4096x64xf32, #tpu.memory_space<hbm>> -> memref<4096x64xf32, #tpu.memory_space<hbm>>
    tpu.enqueue_indirect_dma source(%dma_start3A_33 : memref<4096x64xf32, #tpu.memory_space<hbm>>) target(%dma_start3A_28 : memref<128x64xf32, #tpu.memory_space<vmem>>) offsets(%dma_start3A_30 : memref<128xi32, #tpu.memory_space<vmem>>) semaphore(%arg7 : memref<!tpu.dma_semaphore, #tpu.memory_space<semaphore_mem>>)
    %dma_start3A_34 = arith.constant 512 : i32
    %dma_start3A_35 = arith.constant 0 : i32
    %dma_start3A_36 = tpu.memref_slice %arg6[%dma_start3A_34, %dma_start3A_35] : memref<768x64xf32, #tpu.memory_space<vmem>> -> memref<128x64xf32, #tpu.memory_space<vmem>>
    %dma_start3A_37 = arith.constant 512 : i32
    %dma_start3A_38 = tpu.memref_slice %arg5[%dma_start3A_37] : memref<768xi32, #tpu.memory_space<vmem>> -> memref<128xi32, #tpu.memory_space<vmem>>
    %dma_start3A_39 = arith.constant 0 : i32
    %dma_start3A_40 = arith.constant 0 : i32
    %dma_start3A_41 = tpu.memref_slice %arg2[%dma_start3A_39, %dma_start3A_40] : memref<4096x64xf32, #tpu.memory_space<hbm>> -> memref<4096x64xf32, #tpu.memory_space<hbm>>
    tpu.enqueue_indirect_dma source(%dma_start3A_41 : memref<4096x64xf32, #tpu.memory_space<hbm>>) target(%dma_start3A_36 : memref<128x64xf32, #tpu.memory_space<vmem>>) offsets(%dma_start3A_38 : memref<128xi32, #tpu.memory_space<vmem>>) semaphore(%arg7 : memref<!tpu.dma_semaphore, #tpu.memory_space<semaphore_mem>>)
    %dma_start3A_42 = arith.constant 640 : i32
    %dma_start3A_43 = arith.constant 0 : i32
    %dma_start3A_44 = tpu.memref_slice %arg6[%dma_start3A_42, %dma_start3A_43] : memref<768x64xf32, #tpu.memory_space<vmem>> -> memref<128x64xf32, #tpu.memory_space<vmem>>
    %dma_start3A_45 = arith.constant 640 : i32
    %dma_start3A_46 = tpu.memref_slice %arg5[%dma_start3A_45] : memref<768xi32, #tpu.memory_space<vmem>> -> memref<128xi32, #tpu.memory_space<vmem>>
    %dma_start3A_47 = arith.constant 0 : i32
    %dma_start3A_48 = arith.constant 0 : i32
    %dma_start3A_49 = tpu.memref_slice %arg2[%dma_start3A_47, %dma_start3A_48] : memref<4096x64xf32, #tpu.memory_space<hbm>> -> memref<4096x64xf32, #tpu.memory_space<hbm>>
    tpu.enqueue_indirect_dma source(%dma_start3A_49 : memref<4096x64xf32, #tpu.memory_space<hbm>>) target(%dma_start3A_44 : memref<128x64xf32, #tpu.memory_space<vmem>>) offsets(%dma_start3A_46 : memref<128xi32, #tpu.memory_space<vmem>>) semaphore(%arg7 : memref<!tpu.dma_semaphore, #tpu.memory_space<semaphore_mem>>)
    %dma_wait3A = arith.constant 0 : i32
    %dma_wait3A_50 = arith.constant 0 : i32
    %dma_wait3A_51 = tpu.memref_slice %arg6[%dma_wait3A, %dma_wait3A_50] : memref<768x64xf32, #tpu.memory_space<vmem>> -> memref<128x64xf32, #tpu.memory_space<vmem>>
    %dma_wait3A_52 = arith.constant 0 : i32
    %dma_wait3A_53 = tpu.memref_slice %arg5[%dma_wait3A_52] : memref<768xi32, #tpu.memory_space<vmem>> -> memref<128xi32, #tpu.memory_space<vmem>>
    %dma_wait3A_54 = arith.constant 0 : i32
    %dma_wait3A_55 = arith.constant 0 : i32
    %dma_wait3A_56 = tpu.memref_slice %arg2[%dma_wait3A_54, %dma_wait3A_55] : memref<4096x64xf32, #tpu.memory_space<hbm>> -> memref<4096x64xf32, #tpu.memory_space<hbm>>
    tpu.wait_indirect_dma semaphore(%arg7 : memref<!tpu.dma_semaphore, #tpu.memory_space<semaphore_mem>>) src(%dma_wait3A_56 : memref<4096x64xf32, #tpu.memory_space<hbm>>) dst(%dma_wait3A_51 : memref<128x64xf32, #tpu.memory_space<vmem>>)
    %dma_wait3A_57 = arith.constant 128 : i32
    %dma_wait3A_58 = arith.constant 0 : i32
    %dma_wait3A_59 = tpu.memref_slice %arg6[%dma_wait3A_57, %dma_wait3A_58] : memref<768x64xf32, #tpu.memory_space<vmem>> -> memref<128x64xf32, #tpu.memory_space<vmem>>
    %dma_wait3A_60 = arith.constant 128 : i32
    %dma_wait3A_61 = tpu.memref_slice %arg5[%dma_wait3A_60] : memref<768xi32, #tpu.memory_space<vmem>> -> memref<128xi32, #tpu.memory_space<vmem>>
    %dma_wait3A_62 = arith.constant 0 : i32
    %dma_wait3A_63 = arith.constant 0 : i32
    %dma_wait3A_64 = tpu.memref_slice %arg2[%dma_wait3A_62, %dma_wait3A_63] : memref<4096x64xf32, #tpu.memory_space<hbm>> -> memref<4096x64xf32, #tpu.memory_space<hbm>>
    tpu.wait_indirect_dma semaphore(%arg7 : memref<!tpu.dma_semaphore, #tpu.memory_space<semaphore_mem>>) src(%dma_wait3A_64 : memref<4096x64xf32, #tpu.memory_space<hbm>>) dst(%dma_wait3A_59 : memref<128x64xf32, #tpu.memory_space<vmem>>)
    %dma_wait3A_65 = arith.constant 256 : i32
    %dma_wait3A_66 = arith.constant 0 : i32
    %dma_wait3A_67 = tpu.memref_slice %arg6[%dma_wait3A_65, %dma_wait3A_66] : memref<768x64xf32, #tpu.memory_space<vmem>> -> memref<128x64xf32, #tpu.memory_space<vmem>>
    %dma_wait3A_68 = arith.constant 256 : i32
    %dma_wait3A_69 = tpu.memref_slice %arg5[%dma_wait3A_68] : memref<768xi32, #tpu.memory_space<vmem>> -> memref<128xi32, #tpu.memory_space<vmem>>
    %dma_wait3A_70 = arith.constant 0 : i32
    %dma_wait3A_71 = arith.constant 0 : i32
    %dma_wait3A_72 = tpu.memref_slice %arg2[%dma_wait3A_70, %dma_wait3A_71] : memref<4096x64xf32, #tpu.memory_space<hbm>> -> memref<4096x64xf32, #tpu.memory_space<hbm>>
    tpu.wait_indirect_dma semaphore(%arg7 : memref<!tpu.dma_semaphore, #tpu.memory_space<semaphore_mem>>) src(%dma_wait3A_72 : memref<4096x64xf32, #tpu.memory_space<hbm>>) dst(%dma_wait3A_67 : memref<128x64xf32, #tpu.memory_space<vmem>>)
    %dma_wait3A_73 = arith.constant 384 : i32
    %dma_wait3A_74 = arith.constant 0 : i32
    %dma_wait3A_75 = tpu.memref_slice %arg6[%dma_wait3A_73, %dma_wait3A_74] : memref<768x64xf32, #tpu.memory_space<vmem>> -> memref<128x64xf32, #tpu.memory_space<vmem>>
    %dma_wait3A_76 = arith.constant 384 : i32
    %dma_wait3A_77 = tpu.memref_slice %arg5[%dma_wait3A_76] : memref<768xi32, #tpu.memory_space<vmem>> -> memref<128xi32, #tpu.memory_space<vmem>>
    %dma_wait3A_78 = arith.constant 0 : i32
    %dma_wait3A_79 = arith.constant 0 : i32
    %dma_wait3A_80 = tpu.memref_slice %arg2[%dma_wait3A_78, %dma_wait3A_79] : memref<4096x64xf32, #tpu.memory_space<hbm>> -> memref<4096x64xf32, #tpu.memory_space<hbm>>
    tpu.wait_indirect_dma semaphore(%arg7 : memref<!tpu.dma_semaphore, #tpu.memory_space<semaphore_mem>>) src(%dma_wait3A_80 : memref<4096x64xf32, #tpu.memory_space<hbm>>) dst(%dma_wait3A_75 : memref<128x64xf32, #tpu.memory_space<vmem>>)
    %dma_wait3A_81 = arith.constant 512 : i32
    %dma_wait3A_82 = arith.constant 0 : i32
    %dma_wait3A_83 = tpu.memref_slice %arg6[%dma_wait3A_81, %dma_wait3A_82] : memref<768x64xf32, #tpu.memory_space<vmem>> -> memref<128x64xf32, #tpu.memory_space<vmem>>
    %dma_wait3A_84 = arith.constant 512 : i32
    %dma_wait3A_85 = tpu.memref_slice %arg5[%dma_wait3A_84] : memref<768xi32, #tpu.memory_space<vmem>> -> memref<128xi32, #tpu.memory_space<vmem>>
    %dma_wait3A_86 = arith.constant 0 : i32
    %dma_wait3A_87 = arith.constant 0 : i32
    %dma_wait3A_88 = tpu.memref_slice %arg2[%dma_wait3A_86, %dma_wait3A_87] : memref<4096x64xf32, #tpu.memory_space<hbm>> -> memref<4096x64xf32, #tpu.memory_space<hbm>>
    tpu.wait_indirect_dma semaphore(%arg7 : memref<!tpu.dma_semaphore, #tpu.memory_space<semaphore_mem>>) src(%dma_wait3A_88 : memref<4096x64xf32, #tpu.memory_space<hbm>>) dst(%dma_wait3A_83 : memref<128x64xf32, #tpu.memory_space<vmem>>)
    %dma_wait3A_89 = arith.constant 640 : i32
    %dma_wait3A_90 = arith.constant 0 : i32
    %dma_wait3A_91 = tpu.memref_slice %arg6[%dma_wait3A_89, %dma_wait3A_90] : memref<768x64xf32, #tpu.memory_space<vmem>> -> memref<128x64xf32, #tpu.memory_space<vmem>>
    %dma_wait3A_92 = arith.constant 640 : i32
    %dma_wait3A_93 = tpu.memref_slice %arg5[%dma_wait3A_92] : memref<768xi32, #tpu.memory_space<vmem>> -> memref<128xi32, #tpu.memory_space<vmem>>
    %dma_wait3A_94 = arith.constant 0 : i32
    %dma_wait3A_95 = arith.constant 0 : i32
    %dma_wait3A_96 = tpu.memref_slice %arg2[%dma_wait3A_94, %dma_wait3A_95] : memref<4096x64xf32, #tpu.memory_space<hbm>> -> memref<4096x64xf32, #tpu.memory_space<hbm>>
    tpu.wait_indirect_dma semaphore(%arg7 : memref<!tpu.dma_semaphore, #tpu.memory_space<semaphore_mem>>) src(%dma_wait3A_96 : memref<4096x64xf32, #tpu.memory_space<hbm>>) dst(%dma_wait3A_91 : memref<128x64xf32, #tpu.memory_space<vmem>>)
    "tpu.region"() ({
      %run_scoped3A = tpu.sem_alloc : memref<!tpu.dma_semaphore, #tpu.memory_space<semaphore_mem>>
      %dma_start3A_97 = arith.constant 0 : i32
      %dma_start3A_98 = tpu.memref_slice %arg4[%mul3A_2, %dma_start3A_97] : memref<24576x64xf32, #tpu.memory_space<hbm>> -> memref<768x64xf32, #tpu.memory_space<hbm>>
      %dma_start3A_99 = arith.constant 0 : i32
      %dma_start3A_100 = tpu.memref_slice %arg4[%mul3A_2, %dma_start3A_99] : memref<24576x64xf32, #tpu.memory_space<hbm>> -> memref<768x64xf32, #tpu.memory_space<hbm>>
      tpu.enqueue_dma source(%arg6 : memref<768x64xf32, #tpu.memory_space<vmem>>) target(%dma_start3A_100 : memref<768x64xf32, #tpu.memory_space<hbm>>) target_semaphore(%run_scoped3A : memref<!tpu.dma_semaphore, #tpu.memory_space<semaphore_mem>>)
      %dma_wait3A_101 = arith.constant 0 : i32
      %dma_wait3A_102 = tpu.memref_slice %arg4[%mul3A_2, %dma_wait3A_101] : memref<24576x64xf32, #tpu.memory_space<hbm>> -> memref<768x64xf32, #tpu.memory_space<hbm>>
      %dma_wait3A_103 = arith.constant 0 : i32
      %dma_wait3A_104 = tpu.memref_slice %arg4[%mul3A_2, %dma_wait3A_103] : memref<24576x64xf32, #tpu.memory_space<hbm>> -> memref<768x64xf32, #tpu.memory_space<hbm>>
      tpu.wait_dma2 semaphore(%run_scoped3A : memref<!tpu.dma_semaphore, #tpu.memory_space<semaphore_mem>>) src(%arg6 : memref<768x64xf32, #tpu.memory_space<vmem>>) dst(%dma_wait3A_104 : memref<768x64xf32, #tpu.memory_space<hbm>>)
      tpu.yield
    }) : () -> ()
    return
  }
}

module attributes {stable_mosaic.version = 14 : i64} {
  func.func @_front_body(%arg0: i32, %arg1: memref<4096x384xf32, #tpu.memory_space<vmem>>, %arg2: memref<384x64xf32, #tpu.memory_space<vmem>>, %arg3: memref<1x64xf32, #tpu.memory_space<vmem>>, %arg4: memref<64x64xf32, #tpu.memory_space<vmem>>, %arg5: memref<1x64xf32, #tpu.memory_space<vmem>>, %arg6: memref<64x64xf32, #tpu.memory_space<vmem>>, %arg7: memref<1x64xf32, #tpu.memory_space<vmem>>, %arg8: memref<4096x64xf32, #tpu.memory_space<vmem>>, %arg9: memref<4096x64xf32, #tpu.memory_space<vmem>>, %arg10: memref<256x6xf32, #tpu.memory_space<vmem>>, %arg11: memref<256x6xi32, #tpu.memory_space<vmem>>, %arg12: memref<4096x64xf32, #tpu.memory_space<vmem>>, %arg13: memref<4096x64xf32, #tpu.memory_space<vmem>>, %arg14: memref<4096x64xf32, #tpu.memory_space<vmem>>) attributes {dimension_semantics = [#tpu.dimension_semantics<arbitrary>], iteration_bounds = array<i64: 16>, scalar_prefetch = 0 : i64, scratch_operands = 3 : i64, tpu.core_type = #tpu.core_type<tc>, window_params = [{pipeline_mode = #tpu.pipeline_mode<synchronous>, transform_indices = @transform_0, window_bounds = array<i64: 4096, 384>}, {pipeline_mode = #tpu.pipeline_mode<synchronous>, transform_indices = @transform_1, window_bounds = array<i64: 384, 64>}, {pipeline_mode = #tpu.pipeline_mode<synchronous>, transform_indices = @transform_2, window_bounds = array<i64: 1, 64>}, {pipeline_mode = #tpu.pipeline_mode<synchronous>, transform_indices = @transform_3, window_bounds = array<i64: 64, 64>}, {pipeline_mode = #tpu.pipeline_mode<synchronous>, transform_indices = @transform_4, window_bounds = array<i64: 1, 64>}, {pipeline_mode = #tpu.pipeline_mode<synchronous>, transform_indices = @transform_5, window_bounds = array<i64: 64, 64>}, {pipeline_mode = #tpu.pipeline_mode<synchronous>, transform_indices = @transform_6, window_bounds = array<i64: 1, 64>}, {pipeline_mode = #tpu.pipeline_mode<synchronous>, transform_indices = @transform_7, window_bounds = array<i64: 4096, 64>}, {pipeline_mode = #tpu.pipeline_mode<synchronous>, transform_indices = @transform_8, window_bounds = array<i64: 4096, 64>}, {transform_indices = @transform_9, window_bounds = array<i64: 256, 6>}, {transform_indices = @transform_10, window_bounds = array<i64: 256, 6>}]} {
    %eq3A = arith.constant 0 : i32
    %eq3A_0 = arith.cmpi eq, %arg0, %eq3A : i32
    %convert_element_type3A = arith.extui %eq3A_0 : i1 to i32
    %cond3A = arith.constant 0 : i32
    %cond3A_1 = arith.cmpi ne, %convert_element_type3A, %cond3A : i32
    scf.if %cond3A_1 {
      %get3A_104 = arith.constant 0 : index
      %get3A_105 = arith.constant 0 : index
      %get3A_106 = vector.load %arg1[%get3A_104, %get3A_105] : memref<4096x384xf32, #tpu.memory_space<vmem>>, vector<256x384xf32>
      %get3A_107 = arith.constant 0 : index
      %get3A_108 = arith.constant 0 : index
      %get3A_109 = vector.load %arg2[%get3A_107, %get3A_108] : memref<384x64xf32, #tpu.memory_space<vmem>>, vector<384x64xf32>
      %dot_general3A_110 = arith.constant dense<0.000000e+00> : vector<256x64xf32>
      %dot_general3A_111 = tpu.matmul %get3A_106, %get3A_109, %dot_general3A_110 {dimension_numbers = #tpu.dot_dimension_numbers<[1], [0], [0], [1], [0, 0, 1, 1], [], []>, transpose_lhs_hint = false} : vector<256x384xf32>, vector<384x64xf32>, vector<256x64xf32> -> vector<256x64xf32>
      %get3A_112 = arith.constant 0 : index
      %get3A_113 = arith.constant 0 : index
      %get3A_114 = vector.load %arg3[%get3A_112, %get3A_113] : memref<1x64xf32, #tpu.memory_space<vmem>>, vector<1x64xf32>
      %add3A = vector.broadcast %get3A_114 : vector<1x64xf32> to vector<256x64xf32>
      %add3A_115 = arith.addf %dot_general3A_111, %add3A : vector<256x64xf32>
      %ge3A = arith.constant 0.000000e+00 : f32
      %ge3A_116 = vector.broadcast %ge3A : f32 to vector<256x64xf32>
      %ge3A_117 = arith.cmpf oge, %add3A_115, %ge3A_116 : vector<256x64xf32>
      %mul3A_118 = arith.constant 0.00999999977 : f32
      %mul3A_119 = vector.broadcast %mul3A_118 : f32 to vector<256x64xf32>
      %mul3A_120 = arith.mulf %mul3A_119, %add3A_115 : vector<256x64xf32>
      %select_n3A_121 = arith.select %ge3A_117, %add3A_115, %mul3A_120 : vector<256x64xi1>, vector<256x64xf32>
      %swap3A_122 = arith.constant 0 : index
      %swap3A_123 = arith.constant 0 : index
      %swap3A_124 = vector.load %arg12[%swap3A_122, %swap3A_123] : memref<4096x64xf32, #tpu.memory_space<vmem>>, vector<256x64xf32>
      tpu.vector_store %arg12[%swap3A_122, %swap3A_123], %select_n3A_121 {strides = array<i32>} : memref<4096x64xf32, #tpu.memory_space<vmem>>, vector<256x64xf32>,
      %get3A_125 = arith.constant 256 : index
      %get3A_126 = arith.constant 0 : index
      %get3A_127 = vector.load %arg1[%get3A_125, %get3A_126] : memref<4096x384xf32, #tpu.memory_space<vmem>>, vector<256x384xf32>
      %get3A_128 = arith.constant 0 : index
      %get3A_129 = arith.constant 0 : index
      %get3A_130 = vector.load %arg2[%get3A_128, %get3A_129] : memref<384x64xf32, #tpu.memory_space<vmem>>, vector<384x64xf32>
      %dot_general3A_131 = arith.constant dense<0.000000e+00> : vector<256x64xf32>
      %dot_general3A_132 = tpu.matmul %get3A_127, %get3A_130, %dot_general3A_131 {dimension_numbers = #tpu.dot_dimension_numbers<[1], [0], [0], [1], [0, 0, 1, 1], [], []>, transpose_lhs_hint = false} : vector<256x384xf32>, vector<384x64xf32>, vector<256x64xf32> -> vector<256x64xf32>
      %get3A_133 = arith.constant 0 : index
      %get3A_134 = arith.constant 0 : index
      %get3A_135 = vector.load %arg3[%get3A_133, %get3A_134] : memref<1x64xf32, #tpu.memory_space<vmem>>, vector<1x64xf32>
      %add3A_136 = vector.broadcast %get3A_135 : vector<1x64xf32> to vector<256x64xf32>
      %add3A_137 = arith.addf %dot_general3A_132, %add3A_136 : vector<256x64xf32>
      %ge3A_138 = arith.constant 0.000000e+00 : f32
      %ge3A_139 = vector.broadcast %ge3A_138 : f32 to vector<256x64xf32>
      %ge3A_140 = arith.cmpf oge, %add3A_137, %ge3A_139 : vector<256x64xf32>
      %mul3A_141 = arith.constant 0.00999999977 : f32
      %mul3A_142 = vector.broadcast %mul3A_141 : f32 to vector<256x64xf32>
      %mul3A_143 = arith.mulf %mul3A_142, %add3A_137 : vector<256x64xf32>
      %select_n3A_144 = arith.select %ge3A_140, %add3A_137, %mul3A_143 : vector<256x64xi1>, vector<256x64xf32>
      %swap3A_145 = arith.constant 256 : index
      %swap3A_146 = arith.constant 0 : index
      %swap3A_147 = vector.load %arg12[%swap3A_145, %swap3A_146] : memref<4096x64xf32, #tpu.memory_space<vmem>>, vector<256x64xf32>
      tpu.vector_store %arg12[%swap3A_145, %swap3A_146], %select_n3A_144 {strides = array<i32>} : memref<4096x64xf32, #tpu.memory_space<vmem>>, vector<256x64xf32>,
      %get3A_148 = arith.constant 512 : index
      %get3A_149 = arith.constant 0 : index
      %get3A_150 = vector.load %arg1[%get3A_148, %get3A_149] : memref<4096x384xf32, #tpu.memory_space<vmem>>, vector<256x384xf32>
      %get3A_151 = arith.constant 0 : index
      %get3A_152 = arith.constant 0 : index
      %get3A_153 = vector.load %arg2[%get3A_151, %get3A_152] : memref<384x64xf32, #tpu.memory_space<vmem>>, vector<384x64xf32>
      %dot_general3A_154 = arith.constant dense<0.000000e+00> : vector<256x64xf32>
      %dot_general3A_155 = tpu.matmul %get3A_150, %get3A_153, %dot_general3A_154 {dimension_numbers = #tpu.dot_dimension_numbers<[1], [0], [0], [1], [0, 0, 1, 1], [], []>, transpose_lhs_hint = false} : vector<256x384xf32>, vector<384x64xf32>, vector<256x64xf32> -> vector<256x64xf32>
      %get3A_156 = arith.constant 0 : index
      %get3A_157 = arith.constant 0 : index
      %get3A_158 = vector.load %arg3[%get3A_156, %get3A_157] : memref<1x64xf32, #tpu.memory_space<vmem>>, vector<1x64xf32>
      %add3A_159 = vector.broadcast %get3A_158 : vector<1x64xf32> to vector<256x64xf32>
      %add3A_160 = arith.addf %dot_general3A_155, %add3A_159 : vector<256x64xf32>
      %ge3A_161 = arith.constant 0.000000e+00 : f32
      %ge3A_162 = vector.broadcast %ge3A_161 : f32 to vector<256x64xf32>
      %ge3A_163 = arith.cmpf oge, %add3A_160, %ge3A_162 : vector<256x64xf32>
      %mul3A_164 = arith.constant 0.00999999977 : f32
      %mul3A_165 = vector.broadcast %mul3A_164 : f32 to vector<256x64xf32>
      %mul3A_166 = arith.mulf %mul3A_165, %add3A_160 : vector<256x64xf32>
      %select_n3A_167 = arith.select %ge3A_163, %add3A_160, %mul3A_166 : vector<256x64xi1>, vector<256x64xf32>
      %swap3A_168 = arith.constant 512 : index
      %swap3A_169 = arith.constant 0 : index
      %swap3A_170 = vector.load %arg12[%swap3A_168, %swap3A_169] : memref<4096x64xf32, #tpu.memory_space<vmem>>, vector<256x64xf32>
      tpu.vector_store %arg12[%swap3A_168, %swap3A_169], %select_n3A_167 {strides = array<i32>} : memref<4096x64xf32, #tpu.memory_space<vmem>>, vector<256x64xf32>,
      %get3A_171 = arith.constant 768 : index
      %get3A_172 = arith.constant 0 : index
      %get3A_173 = vector.load %arg1[%get3A_171, %get3A_172] : memref<4096x384xf32, #tpu.memory_space<vmem>>, vector<256x384xf32>
      %get3A_174 = arith.constant 0 : index
      %get3A_175 = arith.constant 0 : index
      %get3A_176 = vector.load %arg2[%get3A_174, %get3A_175] : memref<384x64xf32, #tpu.memory_space<vmem>>, vector<384x64xf32>
      %dot_general3A_177 = arith.constant dense<0.000000e+00> : vector<256x64xf32>
      %dot_general3A_178 = tpu.matmul %get3A_173, %get3A_176, %dot_general3A_177 {dimension_numbers = #tpu.dot_dimension_numbers<[1], [0], [0], [1], [0, 0, 1, 1], [], []>, transpose_lhs_hint = false} : vector<256x384xf32>, vector<384x64xf32>, vector<256x64xf32> -> vector<256x64xf32>
      %get3A_179 = arith.constant 0 : index
      %get3A_180 = arith.constant 0 : index
      %get3A_181 = vector.load %arg3[%get3A_179, %get3A_180] : memref<1x64xf32, #tpu.memory_space<vmem>>, vector<1x64xf32>
      %add3A_182 = vector.broadcast %get3A_181 : vector<1x64xf32> to vector<256x64xf32>
      %add3A_183 = arith.addf %dot_general3A_178, %add3A_182 : vector<256x64xf32>
      %ge3A_184 = arith.constant 0.000000e+00 : f32
      %ge3A_185 = vector.broadcast %ge3A_184 : f32 to vector<256x64xf32>
      %ge3A_186 = arith.cmpf oge, %add3A_183, %ge3A_185 : vector<256x64xf32>
      %mul3A_187 = arith.constant 0.00999999977 : f32
      %mul3A_188 = vector.broadcast %mul3A_187 : f32 to vector<256x64xf32>
      %mul3A_189 = arith.mulf %mul3A_188, %add3A_183 : vector<256x64xf32>
      %select_n3A_190 = arith.select %ge3A_186, %add3A_183, %mul3A_189 : vector<256x64xi1>, vector<256x64xf32>
      %swap3A_191 = arith.constant 768 : index
      %swap3A_192 = arith.constant 0 : index
      %swap3A_193 = vector.load %arg12[%swap3A_191, %swap3A_192] : memref<4096x64xf32, #tpu.memory_space<vmem>>, vector<256x64xf32>
      tpu.vector_store %arg12[%swap3A_191, %swap3A_192], %select_n3A_190 {strides = array<i32>} : memref<4096x64xf32, #tpu.memory_space<vmem>>, vector<256x64xf32>,
      %get3A_194 = arith.constant 1024 : index
      %get3A_195 = arith.constant 0 : index
      %get3A_196 = vector.load %arg1[%get3A_194, %get3A_195] : memref<4096x384xf32, #tpu.memory_space<vmem>>, vector<256x384xf32>
      %get3A_197 = arith.constant 0 : index
      %get3A_198 = arith.constant 0 : index
      %get3A_199 = vector.load %arg2[%get3A_197, %get3A_198] : memref<384x64xf32, #tpu.memory_space<vmem>>, vector<384x64xf32>
      %dot_general3A_200 = arith.constant dense<0.000000e+00> : vector<256x64xf32>
      %dot_general3A_201 = tpu.matmul %get3A_196, %get3A_199, %dot_general3A_200 {dimension_numbers = #tpu.dot_dimension_numbers<[1], [0], [0], [1], [0, 0, 1, 1], [], []>, transpose_lhs_hint = false} : vector<256x384xf32>, vector<384x64xf32>, vector<256x64xf32> -> vector<256x64xf32>
      %get3A_202 = arith.constant 0 : index
      %get3A_203 = arith.constant 0 : index
      %get3A_204 = vector.load %arg3[%get3A_202, %get3A_203] : memref<1x64xf32, #tpu.memory_space<vmem>>, vector<1x64xf32>
      %add3A_205 = vector.broadcast %get3A_204 : vector<1x64xf32> to vector<256x64xf32>
      %add3A_206 = arith.addf %dot_general3A_201, %add3A_205 : vector<256x64xf32>
      %ge3A_207 = arith.constant 0.000000e+00 : f32
      %ge3A_208 = vector.broadcast %ge3A_207 : f32 to vector<256x64xf32>
      %ge3A_209 = arith.cmpf oge, %add3A_206, %ge3A_208 : vector<256x64xf32>
      %mul3A_210 = arith.constant 0.00999999977 : f32
      %mul3A_211 = vector.broadcast %mul3A_210 : f32 to vector<256x64xf32>
      %mul3A_212 = arith.mulf %mul3A_211, %add3A_206 : vector<256x64xf32>
      %select_n3A_213 = arith.select %ge3A_209, %add3A_206, %mul3A_212 : vector<256x64xi1>, vector<256x64xf32>
      %swap3A_214 = arith.constant 1024 : index
      %swap3A_215 = arith.constant 0 : index
      %swap3A_216 = vector.load %arg12[%swap3A_214, %swap3A_215] : memref<4096x64xf32, #tpu.memory_space<vmem>>, vector<256x64xf32>
      tpu.vector_store %arg12[%swap3A_214, %swap3A_215], %select_n3A_213 {strides = array<i32>} : memref<4096x64xf32, #tpu.memory_space<vmem>>, vector<256x64xf32>,
      %get3A_217 = arith.constant 1280 : index
      %get3A_218 = arith.constant 0 : index
      %get3A_219 = vector.load %arg1[%get3A_217, %get3A_218] : memref<4096x384xf32, #tpu.memory_space<vmem>>, vector<256x384xf32>
      %get3A_220 = arith.constant 0 : index
      %get3A_221 = arith.constant 0 : index
      %get3A_222 = vector.load %arg2[%get3A_220, %get3A_221] : memref<384x64xf32, #tpu.memory_space<vmem>>, vector<384x64xf32>
      %dot_general3A_223 = arith.constant dense<0.000000e+00> : vector<256x64xf32>
      %dot_general3A_224 = tpu.matmul %get3A_219, %get3A_222, %dot_general3A_223 {dimension_numbers = #tpu.dot_dimension_numbers<[1], [0], [0], [1], [0, 0, 1, 1], [], []>, transpose_lhs_hint = false} : vector<256x384xf32>, vector<384x64xf32>, vector<256x64xf32> -> vector<256x64xf32>
      %get3A_225 = arith.constant 0 : index
      %get3A_226 = arith.constant 0 : index
      %get3A_227 = vector.load %arg3[%get3A_225, %get3A_226] : memref<1x64xf32, #tpu.memory_space<vmem>>, vector<1x64xf32>
      %add3A_228 = vector.broadcast %get3A_227 : vector<1x64xf32> to vector<256x64xf32>
      %add3A_229 = arith.addf %dot_general3A_224, %add3A_228 : vector<256x64xf32>
      %ge3A_230 = arith.constant 0.000000e+00 : f32
      %ge3A_231 = vector.broadcast %ge3A_230 : f32 to vector<256x64xf32>
      %ge3A_232 = arith.cmpf oge, %add3A_229, %ge3A_231 : vector<256x64xf32>
      %mul3A_233 = arith.constant 0.00999999977 : f32
      %mul3A_234 = vector.broadcast %mul3A_233 : f32 to vector<256x64xf32>
      %mul3A_235 = arith.mulf %mul3A_234, %add3A_229 : vector<256x64xf32>
      %select_n3A_236 = arith.select %ge3A_232, %add3A_229, %mul3A_235 : vector<256x64xi1>, vector<256x64xf32>
      %swap3A_237 = arith.constant 1280 : index
      %swap3A_238 = arith.constant 0 : index
      %swap3A_239 = vector.load %arg12[%swap3A_237, %swap3A_238] : memref<4096x64xf32, #tpu.memory_space<vmem>>, vector<256x64xf32>
      tpu.vector_store %arg12[%swap3A_237, %swap3A_238], %select_n3A_236 {strides = array<i32>} : memref<4096x64xf32, #tpu.memory_space<vmem>>, vector<256x64xf32>,
      %get3A_240 = arith.constant 1536 : index
      %get3A_241 = arith.constant 0 : index
      %get3A_242 = vector.load %arg1[%get3A_240, %get3A_241] : memref<4096x384xf32, #tpu.memory_space<vmem>>, vector<256x384xf32>
      %get3A_243 = arith.constant 0 : index
      %get3A_244 = arith.constant 0 : index
      %get3A_245 = vector.load %arg2[%get3A_243, %get3A_244] : memref<384x64xf32, #tpu.memory_space<vmem>>, vector<384x64xf32>
      %dot_general3A_246 = arith.constant dense<0.000000e+00> : vector<256x64xf32>
      %dot_general3A_247 = tpu.matmul %get3A_242, %get3A_245, %dot_general3A_246 {dimension_numbers = #tpu.dot_dimension_numbers<[1], [0], [0], [1], [0, 0, 1, 1], [], []>, transpose_lhs_hint = false} : vector<256x384xf32>, vector<384x64xf32>, vector<256x64xf32> -> vector<256x64xf32>
      %get3A_248 = arith.constant 0 : index
      %get3A_249 = arith.constant 0 : index
      %get3A_250 = vector.load %arg3[%get3A_248, %get3A_249] : memref<1x64xf32, #tpu.memory_space<vmem>>, vector<1x64xf32>
      %add3A_251 = vector.broadcast %get3A_250 : vector<1x64xf32> to vector<256x64xf32>
      %add3A_252 = arith.addf %dot_general3A_247, %add3A_251 : vector<256x64xf32>
      %ge3A_253 = arith.constant 0.000000e+00 : f32
      %ge3A_254 = vector.broadcast %ge3A_253 : f32 to vector<256x64xf32>
      %ge3A_255 = arith.cmpf oge, %add3A_252, %ge3A_254 : vector<256x64xf32>
      %mul3A_256 = arith.constant 0.00999999977 : f32
      %mul3A_257 = vector.broadcast %mul3A_256 : f32 to vector<256x64xf32>
      %mul3A_258 = arith.mulf %mul3A_257, %add3A_252 : vector<256x64xf32>
      %select_n3A_259 = arith.select %ge3A_255, %add3A_252, %mul3A_258 : vector<256x64xi1>, vector<256x64xf32>
      %swap3A_260 = arith.constant 1536 : index
      %swap3A_261 = arith.constant 0 : index
      %swap3A_262 = vector.load %arg12[%swap3A_260, %swap3A_261] : memref<4096x64xf32, #tpu.memory_space<vmem>>, vector<256x64xf32>
      tpu.vector_store %arg12[%swap3A_260, %swap3A_261], %select_n3A_259 {strides = array<i32>} : memref<4096x64xf32, #tpu.memory_space<vmem>>, vector<256x64xf32>,
      %get3A_263 = arith.constant 1792 : index
      %get3A_264 = arith.constant 0 : index
      %get3A_265 = vector.load %arg1[%get3A_263, %get3A_264] : memref<4096x384xf32, #tpu.memory_space<vmem>>, vector<256x384xf32>
      %get3A_266 = arith.constant 0 : index
      %get3A_267 = arith.constant 0 : index
      %get3A_268 = vector.load %arg2[%get3A_266, %get3A_267] : memref<384x64xf32, #tpu.memory_space<vmem>>, vector<384x64xf32>
      %dot_general3A_269 = arith.constant dense<0.000000e+00> : vector<256x64xf32>
      %dot_general3A_270 = tpu.matmul %get3A_265, %get3A_268, %dot_general3A_269 {dimension_numbers = #tpu.dot_dimension_numbers<[1], [0], [0], [1], [0, 0, 1, 1], [], []>, transpose_lhs_hint = false} : vector<256x384xf32>, vector<384x64xf32>, vector<256x64xf32> -> vector<256x64xf32>
      %get3A_271 = arith.constant 0 : index
      %get3A_272 = arith.constant 0 : index
      %get3A_273 = vector.load %arg3[%get3A_271, %get3A_272] : memref<1x64xf32, #tpu.memory_space<vmem>>, vector<1x64xf32>
      %add3A_274 = vector.broadcast %get3A_273 : vector<1x64xf32> to vector<256x64xf32>
      %add3A_275 = arith.addf %dot_general3A_270, %add3A_274 : vector<256x64xf32>
      %ge3A_276 = arith.constant 0.000000e+00 : f32
      %ge3A_277 = vector.broadcast %ge3A_276 : f32 to vector<256x64xf32>
      %ge3A_278 = arith.cmpf oge, %add3A_275, %ge3A_277 : vector<256x64xf32>
      %mul3A_279 = arith.constant 0.00999999977 : f32
      %mul3A_280 = vector.broadcast %mul3A_279 : f32 to vector<256x64xf32>
      %mul3A_281 = arith.mulf %mul3A_280, %add3A_275 : vector<256x64xf32>
      %select_n3A_282 = arith.select %ge3A_278, %add3A_275, %mul3A_281 : vector<256x64xi1>, vector<256x64xf32>
      %swap3A_283 = arith.constant 1792 : index
      %swap3A_284 = arith.constant 0 : index
      %swap3A_285 = vector.load %arg12[%swap3A_283, %swap3A_284] : memref<4096x64xf32, #tpu.memory_space<vmem>>, vector<256x64xf32>
      tpu.vector_store %arg12[%swap3A_283, %swap3A_284], %select_n3A_282 {strides = array<i32>} : memref<4096x64xf32, #tpu.memory_space<vmem>>, vector<256x64xf32>,
      %get3A_286 = arith.constant 2048 : index
      %get3A_287 = arith.constant 0 : index
      %get3A_288 = vector.load %arg1[%get3A_286, %get3A_287] : memref<4096x384xf32, #tpu.memory_space<vmem>>, vector<256x384xf32>
      %get3A_289 = arith.constant 0 : index
      %get3A_290 = arith.constant 0 : index
      %get3A_291 = vector.load %arg2[%get3A_289, %get3A_290] : memref<384x64xf32, #tpu.memory_space<vmem>>, vector<384x64xf32>
      %dot_general3A_292 = arith.constant dense<0.000000e+00> : vector<256x64xf32>
      %dot_general3A_293 = tpu.matmul %get3A_288, %get3A_291, %dot_general3A_292 {dimension_numbers = #tpu.dot_dimension_numbers<[1], [0], [0], [1], [0, 0, 1, 1], [], []>, transpose_lhs_hint = false} : vector<256x384xf32>, vector<384x64xf32>, vector<256x64xf32> -> vector<256x64xf32>
      %get3A_294 = arith.constant 0 : index
      %get3A_295 = arith.constant 0 : index
      %get3A_296 = vector.load %arg3[%get3A_294, %get3A_295] : memref<1x64xf32, #tpu.memory_space<vmem>>, vector<1x64xf32>
      %add3A_297 = vector.broadcast %get3A_296 : vector<1x64xf32> to vector<256x64xf32>
      %add3A_298 = arith.addf %dot_general3A_293, %add3A_297 : vector<256x64xf32>
      %ge3A_299 = arith.constant 0.000000e+00 : f32
      %ge3A_300 = vector.broadcast %ge3A_299 : f32 to vector<256x64xf32>
      %ge3A_301 = arith.cmpf oge, %add3A_298, %ge3A_300 : vector<256x64xf32>
      %mul3A_302 = arith.constant 0.00999999977 : f32
      %mul3A_303 = vector.broadcast %mul3A_302 : f32 to vector<256x64xf32>
      %mul3A_304 = arith.mulf %mul3A_303, %add3A_298 : vector<256x64xf32>
      %select_n3A_305 = arith.select %ge3A_301, %add3A_298, %mul3A_304 : vector<256x64xi1>, vector<256x64xf32>
      %swap3A_306 = arith.constant 2048 : index
      %swap3A_307 = arith.constant 0 : index
      %swap3A_308 = vector.load %arg12[%swap3A_306, %swap3A_307] : memref<4096x64xf32, #tpu.memory_space<vmem>>, vector<256x64xf32>
      tpu.vector_store %arg12[%swap3A_306, %swap3A_307], %select_n3A_305 {strides = array<i32>} : memref<4096x64xf32, #tpu.memory_space<vmem>>, vector<256x64xf32>,
      %get3A_309 = arith.constant 2304 : index
      %get3A_310 = arith.constant 0 : index
      %get3A_311 = vector.load %arg1[%get3A_309, %get3A_310] : memref<4096x384xf32, #tpu.memory_space<vmem>>, vector<256x384xf32>
      %get3A_312 = arith.constant 0 : index
      %get3A_313 = arith.constant 0 : index
      %get3A_314 = vector.load %arg2[%get3A_312, %get3A_313] : memref<384x64xf32, #tpu.memory_space<vmem>>, vector<384x64xf32>
      %dot_general3A_315 = arith.constant dense<0.000000e+00> : vector<256x64xf32>
      %dot_general3A_316 = tpu.matmul %get3A_311, %get3A_314, %dot_general3A_315 {dimension_numbers = #tpu.dot_dimension_numbers<[1], [0], [0], [1], [0, 0, 1, 1], [], []>, transpose_lhs_hint = false} : vector<256x384xf32>, vector<384x64xf32>, vector<256x64xf32> -> vector<256x64xf32>
      %get3A_317 = arith.constant 0 : index
      %get3A_318 = arith.constant 0 : index
      %get3A_319 = vector.load %arg3[%get3A_317, %get3A_318] : memref<1x64xf32, #tpu.memory_space<vmem>>, vector<1x64xf32>
      %add3A_320 = vector.broadcast %get3A_319 : vector<1x64xf32> to vector<256x64xf32>
      %add3A_321 = arith.addf %dot_general3A_316, %add3A_320 : vector<256x64xf32>
      %ge3A_322 = arith.constant 0.000000e+00 : f32
      %ge3A_323 = vector.broadcast %ge3A_322 : f32 to vector<256x64xf32>
      %ge3A_324 = arith.cmpf oge, %add3A_321, %ge3A_323 : vector<256x64xf32>
      %mul3A_325 = arith.constant 0.00999999977 : f32
      %mul3A_326 = vector.broadcast %mul3A_325 : f32 to vector<256x64xf32>
      %mul3A_327 = arith.mulf %mul3A_326, %add3A_321 : vector<256x64xf32>
      %select_n3A_328 = arith.select %ge3A_324, %add3A_321, %mul3A_327 : vector<256x64xi1>, vector<256x64xf32>
      %swap3A_329 = arith.constant 2304 : index
      %swap3A_330 = arith.constant 0 : index
      %swap3A_331 = vector.load %arg12[%swap3A_329, %swap3A_330] : memref<4096x64xf32, #tpu.memory_space<vmem>>, vector<256x64xf32>
      tpu.vector_store %arg12[%swap3A_329, %swap3A_330], %select_n3A_328 {strides = array<i32>} : memref<4096x64xf32, #tpu.memory_space<vmem>>, vector<256x64xf32>,
      %get3A_332 = arith.constant 2560 : index
      %get3A_333 = arith.constant 0 : index
      %get3A_334 = vector.load %arg1[%get3A_332, %get3A_333] : memref<4096x384xf32, #tpu.memory_space<vmem>>, vector<256x384xf32>
      %get3A_335 = arith.constant 0 : index
      %get3A_336 = arith.constant 0 : index
      %get3A_337 = vector.load %arg2[%get3A_335, %get3A_336] : memref<384x64xf32, #tpu.memory_space<vmem>>, vector<384x64xf32>
      %dot_general3A_338 = arith.constant dense<0.000000e+00> : vector<256x64xf32>
      %dot_general3A_339 = tpu.matmul %get3A_334, %get3A_337, %dot_general3A_338 {dimension_numbers = #tpu.dot_dimension_numbers<[1], [0], [0], [1], [0, 0, 1, 1], [], []>, transpose_lhs_hint = false} : vector<256x384xf32>, vector<384x64xf32>, vector<256x64xf32> -> vector<256x64xf32>
      %get3A_340 = arith.constant 0 : index
      %get3A_341 = arith.constant 0 : index
      %get3A_342 = vector.load %arg3[%get3A_340, %get3A_341] : memref<1x64xf32, #tpu.memory_space<vmem>>, vector<1x64xf32>
      %add3A_343 = vector.broadcast %get3A_342 : vector<1x64xf32> to vector<256x64xf32>
      %add3A_344 = arith.addf %dot_general3A_339, %add3A_343 : vector<256x64xf32>
      %ge3A_345 = arith.constant 0.000000e+00 : f32
      %ge3A_346 = vector.broadcast %ge3A_345 : f32 to vector<256x64xf32>
      %ge3A_347 = arith.cmpf oge, %add3A_344, %ge3A_346 : vector<256x64xf32>
      %mul3A_348 = arith.constant 0.00999999977 : f32
      %mul3A_349 = vector.broadcast %mul3A_348 : f32 to vector<256x64xf32>
      %mul3A_350 = arith.mulf %mul3A_349, %add3A_344 : vector<256x64xf32>
      %select_n3A_351 = arith.select %ge3A_347, %add3A_344, %mul3A_350 : vector<256x64xi1>, vector<256x64xf32>
      %swap3A_352 = arith.constant 2560 : index
      %swap3A_353 = arith.constant 0 : index
      %swap3A_354 = vector.load %arg12[%swap3A_352, %swap3A_353] : memref<4096x64xf32, #tpu.memory_space<vmem>>, vector<256x64xf32>
      tpu.vector_store %arg12[%swap3A_352, %swap3A_353], %select_n3A_351 {strides = array<i32>} : memref<4096x64xf32, #tpu.memory_space<vmem>>, vector<256x64xf32>,
      %get3A_355 = arith.constant 2816 : index
      %get3A_356 = arith.constant 0 : index
      %get3A_357 = vector.load %arg1[%get3A_355, %get3A_356] : memref<4096x384xf32, #tpu.memory_space<vmem>>, vector<256x384xf32>
      %get3A_358 = arith.constant 0 : index
      %get3A_359 = arith.constant 0 : index
      %get3A_360 = vector.load %arg2[%get3A_358, %get3A_359] : memref<384x64xf32, #tpu.memory_space<vmem>>, vector<384x64xf32>
      %dot_general3A_361 = arith.constant dense<0.000000e+00> : vector<256x64xf32>
      %dot_general3A_362 = tpu.matmul %get3A_357, %get3A_360, %dot_general3A_361 {dimension_numbers = #tpu.dot_dimension_numbers<[1], [0], [0], [1], [0, 0, 1, 1], [], []>, transpose_lhs_hint = false} : vector<256x384xf32>, vector<384x64xf32>, vector<256x64xf32> -> vector<256x64xf32>
      %get3A_363 = arith.constant 0 : index
      %get3A_364 = arith.constant 0 : index
      %get3A_365 = vector.load %arg3[%get3A_363, %get3A_364] : memref<1x64xf32, #tpu.memory_space<vmem>>, vector<1x64xf32>
      %add3A_366 = vector.broadcast %get3A_365 : vector<1x64xf32> to vector<256x64xf32>
      %add3A_367 = arith.addf %dot_general3A_362, %add3A_366 : vector<256x64xf32>
      %ge3A_368 = arith.constant 0.000000e+00 : f32
      %ge3A_369 = vector.broadcast %ge3A_368 : f32 to vector<256x64xf32>
      %ge3A_370 = arith.cmpf oge, %add3A_367, %ge3A_369 : vector<256x64xf32>
      %mul3A_371 = arith.constant 0.00999999977 : f32
      %mul3A_372 = vector.broadcast %mul3A_371 : f32 to vector<256x64xf32>
      %mul3A_373 = arith.mulf %mul3A_372, %add3A_367 : vector<256x64xf32>
      %select_n3A_374 = arith.select %ge3A_370, %add3A_367, %mul3A_373 : vector<256x64xi1>, vector<256x64xf32>
      %swap3A_375 = arith.constant 2816 : index
      %swap3A_376 = arith.constant 0 : index
      %swap3A_377 = vector.load %arg12[%swap3A_375, %swap3A_376] : memref<4096x64xf32, #tpu.memory_space<vmem>>, vector<256x64xf32>
      tpu.vector_store %arg12[%swap3A_375, %swap3A_376], %select_n3A_374 {strides = array<i32>} : memref<4096x64xf32, #tpu.memory_space<vmem>>, vector<256x64xf32>,
      %get3A_378 = arith.constant 3072 : index
      %get3A_379 = arith.constant 0 : index
      %get3A_380 = vector.load %arg1[%get3A_378, %get3A_379] : memref<4096x384xf32, #tpu.memory_space<vmem>>, vector<256x384xf32>
      %get3A_381 = arith.constant 0 : index
      %get3A_382 = arith.constant 0 : index
      %get3A_383 = vector.load %arg2[%get3A_381, %get3A_382] : memref<384x64xf32, #tpu.memory_space<vmem>>, vector<384x64xf32>
      %dot_general3A_384 = arith.constant dense<0.000000e+00> : vector<256x64xf32>
      %dot_general3A_385 = tpu.matmul %get3A_380, %get3A_383, %dot_general3A_384 {dimension_numbers = #tpu.dot_dimension_numbers<[1], [0], [0], [1], [0, 0, 1, 1], [], []>, transpose_lhs_hint = false} : vector<256x384xf32>, vector<384x64xf32>, vector<256x64xf32> -> vector<256x64xf32>
      %get3A_386 = arith.constant 0 : index
      %get3A_387 = arith.constant 0 : index
      %get3A_388 = vector.load %arg3[%get3A_386, %get3A_387] : memref<1x64xf32, #tpu.memory_space<vmem>>, vector<1x64xf32>
      %add3A_389 = vector.broadcast %get3A_388 : vector<1x64xf32> to vector<256x64xf32>
      %add3A_390 = arith.addf %dot_general3A_385, %add3A_389 : vector<256x64xf32>
      %ge3A_391 = arith.constant 0.000000e+00 : f32
      %ge3A_392 = vector.broadcast %ge3A_391 : f32 to vector<256x64xf32>
      %ge3A_393 = arith.cmpf oge, %add3A_390, %ge3A_392 : vector<256x64xf32>
      %mul3A_394 = arith.constant 0.00999999977 : f32
      %mul3A_395 = vector.broadcast %mul3A_394 : f32 to vector<256x64xf32>
      %mul3A_396 = arith.mulf %mul3A_395, %add3A_390 : vector<256x64xf32>
      %select_n3A_397 = arith.select %ge3A_393, %add3A_390, %mul3A_396 : vector<256x64xi1>, vector<256x64xf32>
      %swap3A_398 = arith.constant 3072 : index
      %swap3A_399 = arith.constant 0 : index
      %swap3A_400 = vector.load %arg12[%swap3A_398, %swap3A_399] : memref<4096x64xf32, #tpu.memory_space<vmem>>, vector<256x64xf32>
      tpu.vector_store %arg12[%swap3A_398, %swap3A_399], %select_n3A_397 {strides = array<i32>} : memref<4096x64xf32, #tpu.memory_space<vmem>>, vector<256x64xf32>,
      %get3A_401 = arith.constant 3328 : index
      %get3A_402 = arith.constant 0 : index
      %get3A_403 = vector.load %arg1[%get3A_401, %get3A_402] : memref<4096x384xf32, #tpu.memory_space<vmem>>, vector<256x384xf32>
      %get3A_404 = arith.constant 0 : index
      %get3A_405 = arith.constant 0 : index
      %get3A_406 = vector.load %arg2[%get3A_404, %get3A_405] : memref<384x64xf32, #tpu.memory_space<vmem>>, vector<384x64xf32>
      %dot_general3A_407 = arith.constant dense<0.000000e+00> : vector<256x64xf32>
      %dot_general3A_408 = tpu.matmul %get3A_403, %get3A_406, %dot_general3A_407 {dimension_numbers = #tpu.dot_dimension_numbers<[1], [0], [0], [1], [0, 0, 1, 1], [], []>, transpose_lhs_hint = false} : vector<256x384xf32>, vector<384x64xf32>, vector<256x64xf32> -> vector<256x64xf32>
      %get3A_409 = arith.constant 0 : index
      %get3A_410 = arith.constant 0 : index
      %get3A_411 = vector.load %arg3[%get3A_409, %get3A_410] : memref<1x64xf32, #tpu.memory_space<vmem>>, vector<1x64xf32>
      %add3A_412 = vector.broadcast %get3A_411 : vector<1x64xf32> to vector<256x64xf32>
      %add3A_413 = arith.addf %dot_general3A_408, %add3A_412 : vector<256x64xf32>
      %ge3A_414 = arith.constant 0.000000e+00 : f32
      %ge3A_415 = vector.broadcast %ge3A_414 : f32 to vector<256x64xf32>
      %ge3A_416 = arith.cmpf oge, %add3A_413, %ge3A_415 : vector<256x64xf32>
      %mul3A_417 = arith.constant 0.00999999977 : f32
      %mul3A_418 = vector.broadcast %mul3A_417 : f32 to vector<256x64xf32>
      %mul3A_419 = arith.mulf %mul3A_418, %add3A_413 : vector<256x64xf32>
      %select_n3A_420 = arith.select %ge3A_416, %add3A_413, %mul3A_419 : vector<256x64xi1>, vector<256x64xf32>
      %swap3A_421 = arith.constant 3328 : index
      %swap3A_422 = arith.constant 0 : index
      %swap3A_423 = vector.load %arg12[%swap3A_421, %swap3A_422] : memref<4096x64xf32, #tpu.memory_space<vmem>>, vector<256x64xf32>
      tpu.vector_store %arg12[%swap3A_421, %swap3A_422], %select_n3A_420 {strides = array<i32>} : memref<4096x64xf32, #tpu.memory_space<vmem>>, vector<256x64xf32>,
      %get3A_424 = arith.constant 3584 : index
      %get3A_425 = arith.constant 0 : index
      %get3A_426 = vector.load %arg1[%get3A_424, %get3A_425] : memref<4096x384xf32, #tpu.memory_space<vmem>>, vector<256x384xf32>
      %get3A_427 = arith.constant 0 : index
      %get3A_428 = arith.constant 0 : index
      %get3A_429 = vector.load %arg2[%get3A_427, %get3A_428] : memref<384x64xf32, #tpu.memory_space<vmem>>, vector<384x64xf32>
      %dot_general3A_430 = arith.constant dense<0.000000e+00> : vector<256x64xf32>
      %dot_general3A_431 = tpu.matmul %get3A_426, %get3A_429, %dot_general3A_430 {dimension_numbers = #tpu.dot_dimension_numbers<[1], [0], [0], [1], [0, 0, 1, 1], [], []>, transpose_lhs_hint = false} : vector<256x384xf32>, vector<384x64xf32>, vector<256x64xf32> -> vector<256x64xf32>
      %get3A_432 = arith.constant 0 : index
      %get3A_433 = arith.constant 0 : index
      %get3A_434 = vector.load %arg3[%get3A_432, %get3A_433] : memref<1x64xf32, #tpu.memory_space<vmem>>, vector<1x64xf32>
      %add3A_435 = vector.broadcast %get3A_434 : vector<1x64xf32> to vector<256x64xf32>
      %add3A_436 = arith.addf %dot_general3A_431, %add3A_435 : vector<256x64xf32>
      %ge3A_437 = arith.constant 0.000000e+00 : f32
      %ge3A_438 = vector.broadcast %ge3A_437 : f32 to vector<256x64xf32>
      %ge3A_439 = arith.cmpf oge, %add3A_436, %ge3A_438 : vector<256x64xf32>
      %mul3A_440 = arith.constant 0.00999999977 : f32
      %mul3A_441 = vector.broadcast %mul3A_440 : f32 to vector<256x64xf32>
      %mul3A_442 = arith.mulf %mul3A_441, %add3A_436 : vector<256x64xf32>
      %select_n3A_443 = arith.select %ge3A_439, %add3A_436, %mul3A_442 : vector<256x64xi1>, vector<256x64xf32>
      %swap3A_444 = arith.constant 3584 : index
      %swap3A_445 = arith.constant 0 : index
      %swap3A_446 = vector.load %arg12[%swap3A_444, %swap3A_445] : memref<4096x64xf32, #tpu.memory_space<vmem>>, vector<256x64xf32>
      tpu.vector_store %arg12[%swap3A_444, %swap3A_445], %select_n3A_443 {strides = array<i32>} : memref<4096x64xf32, #tpu.memory_space<vmem>>, vector<256x64xf32>,
      %get3A_447 = arith.constant 3840 : index
      %get3A_448 = arith.constant 0 : index
      %get3A_449 = vector.load %arg1[%get3A_447, %get3A_448] : memref<4096x384xf32, #tpu.memory_space<vmem>>, vector<256x384xf32>
      %get3A_450 = arith.constant 0 : index
      %get3A_451 = arith.constant 0 : index
      %get3A_452 = vector.load %arg2[%get3A_450, %get3A_451] : memref<384x64xf32, #tpu.memory_space<vmem>>, vector<384x64xf32>
      %dot_general3A_453 = arith.constant dense<0.000000e+00> : vector<256x64xf32>
      %dot_general3A_454 = tpu.matmul %get3A_449, %get3A_452, %dot_general3A_453 {dimension_numbers = #tpu.dot_dimension_numbers<[1], [0], [0], [1], [0, 0, 1, 1], [], []>, transpose_lhs_hint = false} : vector<256x384xf32>, vector<384x64xf32>, vector<256x64xf32> -> vector<256x64xf32>
      %get3A_455 = arith.constant 0 : index
      %get3A_456 = arith.constant 0 : index
      %get3A_457 = vector.load %arg3[%get3A_455, %get3A_456] : memref<1x64xf32, #tpu.memory_space<vmem>>, vector<1x64xf32>
      %add3A_458 = vector.broadcast %get3A_457 : vector<1x64xf32> to vector<256x64xf32>
      %add3A_459 = arith.addf %dot_general3A_454, %add3A_458 : vector<256x64xf32>
      %ge3A_460 = arith.constant 0.000000e+00 : f32
      %ge3A_461 = vector.broadcast %ge3A_460 : f32 to vector<256x64xf32>
      %ge3A_462 = arith.cmpf oge, %add3A_459, %ge3A_461 : vector<256x64xf32>
      %mul3A_463 = arith.constant 0.00999999977 : f32
      %mul3A_464 = vector.broadcast %mul3A_463 : f32 to vector<256x64xf32>
      %mul3A_465 = arith.mulf %mul3A_464, %add3A_459 : vector<256x64xf32>
      %select_n3A_466 = arith.select %ge3A_462, %add3A_459, %mul3A_465 : vector<256x64xi1>, vector<256x64xf32>
      %swap3A_467 = arith.constant 3840 : index
      %swap3A_468 = arith.constant 0 : index
      %swap3A_469 = vector.load %arg12[%swap3A_467, %swap3A_468] : memref<4096x64xf32, #tpu.memory_space<vmem>>, vector<256x64xf32>
      tpu.vector_store %arg12[%swap3A_467, %swap3A_468], %select_n3A_466 {strides = array<i32>} : memref<4096x64xf32, #tpu.memory_space<vmem>>, vector<256x64xf32>,
      %get3A_470 = arith.constant 0 : index
      %get3A_471 = arith.constant 0 : index
      %get3A_472 = vector.load %arg12[%get3A_470, %get3A_471] : memref<4096x64xf32, #tpu.memory_space<vmem>>, vector<4096x64xf32>
      %reshape3A = vector.shape_cast %get3A_472 : vector<4096x64xf32> to vector<32x16x8x64xf32>
      %broadcast_in_dim3A_473 = arith.constant 0.000000e+00 : f32
      %broadcast_in_dim3A_474 = vector.broadcast %broadcast_in_dim3A_473 : f32 to vector<16x8x64xf32>
      %slice3A = vector.extract_strided_slice %reshape3A {offsets = [0, 0, 0, 0], sizes = [1, 16, 8, 64], strides = [1, 1, 1, 1]} : vector<32x16x8x64xf32> to vector<1x16x8x64xf32>
      %squeeze3A = vector.shape_cast %slice3A : vector<1x16x8x64xf32> to vector<16x8x64xf32>
      %add3A_475 = arith.addf %broadcast_in_dim3A_474, %squeeze3A : vector<16x8x64xf32>
      %slice3A_476 = vector.extract_strided_slice %reshape3A {offsets = [1, 0, 0, 0], sizes = [1, 16, 8, 64], strides = [1, 1, 1, 1]} : vector<32x16x8x64xf32> to vector<1x16x8x64xf32>
      %squeeze3A_477 = vector.shape_cast %slice3A_476 : vector<1x16x8x64xf32> to vector<16x8x64xf32>
      %add3A_478 = arith.addf %add3A_475, %squeeze3A_477 : vector<16x8x64xf32>
      %slice3A_479 = vector.extract_strided_slice %reshape3A {offsets = [2, 0, 0, 0], sizes = [1, 16, 8, 64], strides = [1, 1, 1, 1]} : vector<32x16x8x64xf32> to vector<1x16x8x64xf32>
      %squeeze3A_480 = vector.shape_cast %slice3A_479 : vector<1x16x8x64xf32> to vector<16x8x64xf32>
      %add3A_481 = arith.addf %add3A_478, %squeeze3A_480 : vector<16x8x64xf32>
      %slice3A_482 = vector.extract_strided_slice %reshape3A {offsets = [3, 0, 0, 0], sizes = [1, 16, 8, 64], strides = [1, 1, 1, 1]} : vector<32x16x8x64xf32> to vector<1x16x8x64xf32>
      %squeeze3A_483 = vector.shape_cast %slice3A_482 : vector<1x16x8x64xf32> to vector<16x8x64xf32>
      %add3A_484 = arith.addf %add3A_481, %squeeze3A_483 : vector<16x8x64xf32>
      %slice3A_485 = vector.extract_strided_slice %reshape3A {offsets = [4, 0, 0, 0], sizes = [1, 16, 8, 64], strides = [1, 1, 1, 1]} : vector<32x16x8x64xf32> to vector<1x16x8x64xf32>
      %squeeze3A_486 = vector.shape_cast %slice3A_485 : vector<1x16x8x64xf32> to vector<16x8x64xf32>
      %add3A_487 = arith.addf %add3A_484, %squeeze3A_486 : vector<16x8x64xf32>
      %slice3A_488 = vector.extract_strided_slice %reshape3A {offsets = [5, 0, 0, 0], sizes = [1, 16, 8, 64], strides = [1, 1, 1, 1]} : vector<32x16x8x64xf32> to vector<1x16x8x64xf32>
      %squeeze3A_489 = vector.shape_cast %slice3A_488 : vector<1x16x8x64xf32> to vector<16x8x64xf32>
      %add3A_490 = arith.addf %add3A_487, %squeeze3A_489 : vector<16x8x64xf32>
      %slice3A_491 = vector.extract_strided_slice %reshape3A {offsets = [6, 0, 0, 0], sizes = [1, 16, 8, 64], strides = [1, 1, 1, 1]} : vector<32x16x8x64xf32> to vector<1x16x8x64xf32>
      %squeeze3A_492 = vector.shape_cast %slice3A_491 : vector<1x16x8x64xf32> to vector<16x8x64xf32>
      %add3A_493 = arith.addf %add3A_490, %squeeze3A_492 : vector<16x8x64xf32>
      %slice3A_494 = vector.extract_strided_slice %reshape3A {offsets = [7, 0, 0, 0], sizes = [1, 16, 8, 64], strides = [1, 1, 1, 1]} : vector<32x16x8x64xf32> to vector<1x16x8x64xf32>
      %squeeze3A_495 = vector.shape_cast %slice3A_494 : vector<1x16x8x64xf32> to vector<16x8x64xf32>
      %add3A_496 = arith.addf %add3A_493, %squeeze3A_495 : vector<16x8x64xf32>
      %slice3A_497 = vector.extract_strided_slice %reshape3A {offsets = [8, 0, 0, 0], sizes = [1, 16, 8, 64], strides = [1, 1, 1, 1]} : vector<32x16x8x64xf32> to vector<1x16x8x64xf32>
      %squeeze3A_498 = vector.shape_cast %slice3A_497 : vector<1x16x8x64xf32> to vector<16x8x64xf32>
      %add3A_499 = arith.addf %add3A_496, %squeeze3A_498 : vector<16x8x64xf32>
      %slice3A_500 = vector.extract_strided_slice %reshape3A {offsets = [9, 0, 0, 0], sizes = [1, 16, 8, 64], strides = [1, 1, 1, 1]} : vector<32x16x8x64xf32> to vector<1x16x8x64xf32>
      %squeeze3A_501 = vector.shape_cast %slice3A_500 : vector<1x16x8x64xf32> to vector<16x8x64xf32>
      %add3A_502 = arith.addf %add3A_499, %squeeze3A_501 : vector<16x8x64xf32>
      %slice3A_503 = vector.extract_strided_slice %reshape3A {offsets = [10, 0, 0, 0], sizes = [1, 16, 8, 64], strides = [1, 1, 1, 1]} : vector<32x16x8x64xf32> to vector<1x16x8x64xf32>
      %squeeze3A_504 = vector.shape_cast %slice3A_503 : vector<1x16x8x64xf32> to vector<16x8x64xf32>
      %add3A_505 = arith.addf %add3A_502, %squeeze3A_504 : vector<16x8x64xf32>
      %slice3A_506 = vector.extract_strided_slice %reshape3A {offsets = [11, 0, 0, 0], sizes = [1, 16, 8, 64], strides = [1, 1, 1, 1]} : vector<32x16x8x64xf32> to vector<1x16x8x64xf32>
      %squeeze3A_507 = vector.shape_cast %slice3A_506 : vector<1x16x8x64xf32> to vector<16x8x64xf32>
      %add3A_508 = arith.addf %add3A_505, %squeeze3A_507 : vector<16x8x64xf32>
      %slice3A_509 = vector.extract_strided_slice %reshape3A {offsets = [12, 0, 0, 0], sizes = [1, 16, 8, 64], strides = [1, 1, 1, 1]} : vector<32x16x8x64xf32> to vector<1x16x8x64xf32>
      %squeeze3A_510 = vector.shape_cast %slice3A_509 : vector<1x16x8x64xf32> to vector<16x8x64xf32>
      %add3A_511 = arith.addf %add3A_508, %squeeze3A_510 : vector<16x8x64xf32>
      %slice3A_512 = vector.extract_strided_slice %reshape3A {offsets = [13, 0, 0, 0], sizes = [1, 16, 8, 64], strides = [1, 1, 1, 1]} : vector<32x16x8x64xf32> to vector<1x16x8x64xf32>
      %squeeze3A_513 = vector.shape_cast %slice3A_512 : vector<1x16x8x64xf32> to vector<16x8x64xf32>
      %add3A_514 = arith.addf %add3A_511, %squeeze3A_513 : vector<16x8x64xf32>
      %slice3A_515 = vector.extract_strided_slice %reshape3A {offsets = [14, 0, 0, 0], sizes = [1, 16, 8, 64], strides = [1, 1, 1, 1]} : vector<32x16x8x64xf32> to vector<1x16x8x64xf32>
      %squeeze3A_516 = vector.shape_cast %slice3A_515 : vector<1x16x8x64xf32> to vector<16x8x64xf32>
      %add3A_517 = arith.addf %add3A_514, %squeeze3A_516 : vector<16x8x64xf32>
      %slice3A_518 = vector.extract_strided_slice %reshape3A {offsets = [15, 0, 0, 0], sizes = [1, 16, 8, 64], strides = [1, 1, 1, 1]} : vector<32x16x8x64xf32> to vector<1x16x8x64xf32>
      %squeeze3A_519 = vector.shape_cast %slice3A_518 : vector<1x16x8x64xf32> to vector<16x8x64xf32>
      %add3A_520 = arith.addf %add3A_517, %squeeze3A_519 : vector<16x8x64xf32>
      %slice3A_521 = vector.extract_strided_slice %reshape3A {offsets = [16, 0, 0, 0], sizes = [1, 16, 8, 64], strides = [1, 1, 1, 1]} : vector<32x16x8x64xf32> to vector<1x16x8x64xf32>
      %squeeze3A_522 = vector.shape_cast %slice3A_521 : vector<1x16x8x64xf32> to vector<16x8x64xf32>
      %add3A_523 = arith.addf %add3A_520, %squeeze3A_522 : vector<16x8x64xf32>
      %slice3A_524 = vector.extract_strided_slice %reshape3A {offsets = [17, 0, 0, 0], sizes = [1, 16, 8, 64], strides = [1, 1, 1, 1]} : vector<32x16x8x64xf32> to vector<1x16x8x64xf32>
      %squeeze3A_525 = vector.shape_cast %slice3A_524 : vector<1x16x8x64xf32> to vector<16x8x64xf32>
      %add3A_526 = arith.addf %add3A_523, %squeeze3A_525 : vector<16x8x64xf32>
      %slice3A_527 = vector.extract_strided_slice %reshape3A {offsets = [18, 0, 0, 0], sizes = [1, 16, 8, 64], strides = [1, 1, 1, 1]} : vector<32x16x8x64xf32> to vector<1x16x8x64xf32>
      %squeeze3A_528 = vector.shape_cast %slice3A_527 : vector<1x16x8x64xf32> to vector<16x8x64xf32>
      %add3A_529 = arith.addf %add3A_526, %squeeze3A_528 : vector<16x8x64xf32>
      %slice3A_530 = vector.extract_strided_slice %reshape3A {offsets = [19, 0, 0, 0], sizes = [1, 16, 8, 64], strides = [1, 1, 1, 1]} : vector<32x16x8x64xf32> to vector<1x16x8x64xf32>
      %squeeze3A_531 = vector.shape_cast %slice3A_530 : vector<1x16x8x64xf32> to vector<16x8x64xf32>
      %add3A_532 = arith.addf %add3A_529, %squeeze3A_531 : vector<16x8x64xf32>
      %slice3A_533 = vector.extract_strided_slice %reshape3A {offsets = [20, 0, 0, 0], sizes = [1, 16, 8, 64], strides = [1, 1, 1, 1]} : vector<32x16x8x64xf32> to vector<1x16x8x64xf32>
      %squeeze3A_534 = vector.shape_cast %slice3A_533 : vector<1x16x8x64xf32> to vector<16x8x64xf32>
      %add3A_535 = arith.addf %add3A_532, %squeeze3A_534 : vector<16x8x64xf32>
      %slice3A_536 = vector.extract_strided_slice %reshape3A {offsets = [21, 0, 0, 0], sizes = [1, 16, 8, 64], strides = [1, 1, 1, 1]} : vector<32x16x8x64xf32> to vector<1x16x8x64xf32>
      %squeeze3A_537 = vector.shape_cast %slice3A_536 : vector<1x16x8x64xf32> to vector<16x8x64xf32>
      %add3A_538 = arith.addf %add3A_535, %squeeze3A_537 : vector<16x8x64xf32>
      %slice3A_539 = vector.extract_strided_slice %reshape3A {offsets = [22, 0, 0, 0], sizes = [1, 16, 8, 64], strides = [1, 1, 1, 1]} : vector<32x16x8x64xf32> to vector<1x16x8x64xf32>
      %squeeze3A_540 = vector.shape_cast %slice3A_539 : vector<1x16x8x64xf32> to vector<16x8x64xf32>
      %add3A_541 = arith.addf %add3A_538, %squeeze3A_540 : vector<16x8x64xf32>
      %slice3A_542 = vector.extract_strided_slice %reshape3A {offsets = [23, 0, 0, 0], sizes = [1, 16, 8, 64], strides = [1, 1, 1, 1]} : vector<32x16x8x64xf32> to vector<1x16x8x64xf32>
      %squeeze3A_543 = vector.shape_cast %slice3A_542 : vector<1x16x8x64xf32> to vector<16x8x64xf32>
      %add3A_544 = arith.addf %add3A_541, %squeeze3A_543 : vector<16x8x64xf32>
      %slice3A_545 = vector.extract_strided_slice %reshape3A {offsets = [24, 0, 0, 0], sizes = [1, 16, 8, 64], strides = [1, 1, 1, 1]} : vector<32x16x8x64xf32> to vector<1x16x8x64xf32>
      %squeeze3A_546 = vector.shape_cast %slice3A_545 : vector<1x16x8x64xf32> to vector<16x8x64xf32>
      %add3A_547 = arith.addf %add3A_544, %squeeze3A_546 : vector<16x8x64xf32>
      %slice3A_548 = vector.extract_strided_slice %reshape3A {offsets = [25, 0, 0, 0], sizes = [1, 16, 8, 64], strides = [1, 1, 1, 1]} : vector<32x16x8x64xf32> to vector<1x16x8x64xf32>
      %squeeze3A_549 = vector.shape_cast %slice3A_548 : vector<1x16x8x64xf32> to vector<16x8x64xf32>
      %add3A_550 = arith.addf %add3A_547, %squeeze3A_549 : vector<16x8x64xf32>
      %slice3A_551 = vector.extract_strided_slice %reshape3A {offsets = [26, 0, 0, 0], sizes = [1, 16, 8, 64], strides = [1, 1, 1, 1]} : vector<32x16x8x64xf32> to vector<1x16x8x64xf32>
      %squeeze3A_552 = vector.shape_cast %slice3A_551 : vector<1x16x8x64xf32> to vector<16x8x64xf32>
      %add3A_553 = arith.addf %add3A_550, %squeeze3A_552 : vector<16x8x64xf32>
      %slice3A_554 = vector.extract_strided_slice %reshape3A {offsets = [27, 0, 0, 0], sizes = [1, 16, 8, 64], strides = [1, 1, 1, 1]} : vector<32x16x8x64xf32> to vector<1x16x8x64xf32>
      %squeeze3A_555 = vector.shape_cast %slice3A_554 : vector<1x16x8x64xf32> to vector<16x8x64xf32>
      %add3A_556 = arith.addf %add3A_553, %squeeze3A_555 : vector<16x8x64xf32>
      %slice3A_557 = vector.extract_strided_slice %reshape3A {offsets = [28, 0, 0, 0], sizes = [1, 16, 8, 64], strides = [1, 1, 1, 1]} : vector<32x16x8x64xf32> to vector<1x16x8x64xf32>
      %squeeze3A_558 = vector.shape_cast %slice3A_557 : vector<1x16x8x64xf32> to vector<16x8x64xf32>
      %add3A_559 = arith.addf %add3A_556, %squeeze3A_558 : vector<16x8x64xf32>
      %slice3A_560 = vector.extract_strided_slice %reshape3A {offsets = [29, 0, 0, 0], sizes = [1, 16, 8, 64], strides = [1, 1, 1, 1]} : vector<32x16x8x64xf32> to vector<1x16x8x64xf32>
      %squeeze3A_561 = vector.shape_cast %slice3A_560 : vector<1x16x8x64xf32> to vector<16x8x64xf32>
      %add3A_562 = arith.addf %add3A_559, %squeeze3A_561 : vector<16x8x64xf32>
      %slice3A_563 = vector.extract_strided_slice %reshape3A {offsets = [30, 0, 0, 0], sizes = [1, 16, 8, 64], strides = [1, 1, 1, 1]} : vector<32x16x8x64xf32> to vector<1x16x8x64xf32>
      %squeeze3A_564 = vector.shape_cast %slice3A_563 : vector<1x16x8x64xf32> to vector<16x8x64xf32>
      %add3A_565 = arith.addf %add3A_562, %squeeze3A_564 : vector<16x8x64xf32>
      %slice3A_566 = vector.extract_strided_slice %reshape3A {offsets = [31, 0, 0, 0], sizes = [1, 16, 8, 64], strides = [1, 1, 1, 1]} : vector<32x16x8x64xf32> to vector<1x16x8x64xf32>
      %squeeze3A_567 = vector.shape_cast %slice3A_566 : vector<1x16x8x64xf32> to vector<16x8x64xf32>
      %add3A_568 = arith.addf %add3A_565, %squeeze3A_567 : vector<16x8x64xf32>
      %slice3A_569 = vector.extract_strided_slice %add3A_568 {offsets = [0, 0, 0], sizes = [1, 8, 64], strides = [1, 1, 1]} : vector<16x8x64xf32> to vector<1x8x64xf32>
      %squeeze3A_570 = vector.shape_cast %slice3A_569 : vector<1x8x64xf32> to vector<8x64xf32>
      %slice3A_571 = vector.extract_strided_slice %add3A_568 {offsets = [1, 0, 0], sizes = [1, 8, 64], strides = [1, 1, 1]} : vector<16x8x64xf32> to vector<1x8x64xf32>
      %squeeze3A_572 = vector.shape_cast %slice3A_571 : vector<1x8x64xf32> to vector<8x64xf32>
      %add3A_573 = arith.addf %squeeze3A_570, %squeeze3A_572 : vector<8x64xf32>
      %slice3A_574 = vector.extract_strided_slice %add3A_568 {offsets = [2, 0, 0], sizes = [1, 8, 64], strides = [1, 1, 1]} : vector<16x8x64xf32> to vector<1x8x64xf32>
      %squeeze3A_575 = vector.shape_cast %slice3A_574 : vector<1x8x64xf32> to vector<8x64xf32>
      %add3A_576 = arith.addf %add3A_573, %squeeze3A_575 : vector<8x64xf32>
      %slice3A_577 = vector.extract_strided_slice %add3A_568 {offsets = [3, 0, 0], sizes = [1, 8, 64], strides = [1, 1, 1]} : vector<16x8x64xf32> to vector<1x8x64xf32>
      %squeeze3A_578 = vector.shape_cast %slice3A_577 : vector<1x8x64xf32> to vector<8x64xf32>
      %add3A_579 = arith.addf %add3A_576, %squeeze3A_578 : vector<8x64xf32>
      %slice3A_580 = vector.extract_strided_slice %add3A_568 {offsets = [4, 0, 0], sizes = [1, 8, 64], strides = [1, 1, 1]} : vector<16x8x64xf32> to vector<1x8x64xf32>
      %squeeze3A_581 = vector.shape_cast %slice3A_580 : vector<1x8x64xf32> to vector<8x64xf32>
      %add3A_582 = arith.addf %add3A_579, %squeeze3A_581 : vector<8x64xf32>
      %slice3A_583 = vector.extract_strided_slice %add3A_568 {offsets = [5, 0, 0], sizes = [1, 8, 64], strides = [1, 1, 1]} : vector<16x8x64xf32> to vector<1x8x64xf32>
      %squeeze3A_584 = vector.shape_cast %slice3A_583 : vector<1x8x64xf32> to vector<8x64xf32>
      %add3A_585 = arith.addf %add3A_582, %squeeze3A_584 : vector<8x64xf32>
      %slice3A_586 = vector.extract_strided_slice %add3A_568 {offsets = [6, 0, 0], sizes = [1, 8, 64], strides = [1, 1, 1]} : vector<16x8x64xf32> to vector<1x8x64xf32>
      %squeeze3A_587 = vector.shape_cast %slice3A_586 : vector<1x8x64xf32> to vector<8x64xf32>
      %add3A_588 = arith.addf %add3A_585, %squeeze3A_587 : vector<8x64xf32>
      %slice3A_589 = vector.extract_strided_slice %add3A_568 {offsets = [7, 0, 0], sizes = [1, 8, 64], strides = [1, 1, 1]} : vector<16x8x64xf32> to vector<1x8x64xf32>
      %squeeze3A_590 = vector.shape_cast %slice3A_589 : vector<1x8x64xf32> to vector<8x64xf32>
      %add3A_591 = arith.addf %add3A_588, %squeeze3A_590 : vector<8x64xf32>
      %slice3A_592 = vector.extract_strided_slice %add3A_568 {offsets = [8, 0, 0], sizes = [1, 8, 64], strides = [1, 1, 1]} : vector<16x8x64xf32> to vector<1x8x64xf32>
      %squeeze3A_593 = vector.shape_cast %slice3A_592 : vector<1x8x64xf32> to vector<8x64xf32>
      %add3A_594 = arith.addf %add3A_591, %squeeze3A_593 : vector<8x64xf32>
      %slice3A_595 = vector.extract_strided_slice %add3A_568 {offsets = [9, 0, 0], sizes = [1, 8, 64], strides = [1, 1, 1]} : vector<16x8x64xf32> to vector<1x8x64xf32>
      %squeeze3A_596 = vector.shape_cast %slice3A_595 : vector<1x8x64xf32> to vector<8x64xf32>
      %add3A_597 = arith.addf %add3A_594, %squeeze3A_596 : vector<8x64xf32>
      %slice3A_598 = vector.extract_strided_slice %add3A_568 {offsets = [10, 0, 0], sizes = [1, 8, 64], strides = [1, 1, 1]} : vector<16x8x64xf32> to vector<1x8x64xf32>
      %squeeze3A_599 = vector.shape_cast %slice3A_598 : vector<1x8x64xf32> to vector<8x64xf32>
      %add3A_600 = arith.addf %add3A_597, %squeeze3A_599 : vector<8x64xf32>
      %slice3A_601 = vector.extract_strided_slice %add3A_568 {offsets = [11, 0, 0], sizes = [1, 8, 64], strides = [1, 1, 1]} : vector<16x8x64xf32> to vector<1x8x64xf32>
      %squeeze3A_602 = vector.shape_cast %slice3A_601 : vector<1x8x64xf32> to vector<8x64xf32>
      %add3A_603 = arith.addf %add3A_600, %squeeze3A_602 : vector<8x64xf32>
      %slice3A_604 = vector.extract_strided_slice %add3A_568 {offsets = [12, 0, 0], sizes = [1, 8, 64], strides = [1, 1, 1]} : vector<16x8x64xf32> to vector<1x8x64xf32>
      %squeeze3A_605 = vector.shape_cast %slice3A_604 : vector<1x8x64xf32> to vector<8x64xf32>
      %add3A_606 = arith.addf %add3A_603, %squeeze3A_605 : vector<8x64xf32>
      %slice3A_607 = vector.extract_strided_slice %add3A_568 {offsets = [13, 0, 0], sizes = [1, 8, 64], strides = [1, 1, 1]} : vector<16x8x64xf32> to vector<1x8x64xf32>
      %squeeze3A_608 = vector.shape_cast %slice3A_607 : vector<1x8x64xf32> to vector<8x64xf32>
      %add3A_609 = arith.addf %add3A_606, %squeeze3A_608 : vector<8x64xf32>
      %slice3A_610 = vector.extract_strided_slice %add3A_568 {offsets = [14, 0, 0], sizes = [1, 8, 64], strides = [1, 1, 1]} : vector<16x8x64xf32> to vector<1x8x64xf32>
      %squeeze3A_611 = vector.shape_cast %slice3A_610 : vector<1x8x64xf32> to vector<8x64xf32>
      %add3A_612 = arith.addf %add3A_609, %squeeze3A_611 : vector<8x64xf32>
      %slice3A_613 = vector.extract_strided_slice %add3A_568 {offsets = [15, 0, 0], sizes = [1, 8, 64], strides = [1, 1, 1]} : vector<16x8x64xf32> to vector<1x8x64xf32>
      %squeeze3A_614 = vector.shape_cast %slice3A_613 : vector<1x8x64xf32> to vector<8x64xf32>
      %add3A_615 = arith.addf %add3A_612, %squeeze3A_614 : vector<8x64xf32>
      %slice3A_616 = vector.extract_strided_slice %add3A_615 {offsets = [0, 0], sizes = [4, 64], strides = [1, 1]} : vector<8x64xf32> to vector<4x64xf32>
      %slice3A_617 = vector.extract_strided_slice %add3A_615 {offsets = [4, 0], sizes = [4, 64], strides = [1, 1]} : vector<8x64xf32> to vector<4x64xf32>
      %add3A_618 = arith.addf %slice3A_616, %slice3A_617 : vector<4x64xf32>
      %slice3A_619 = vector.extract_strided_slice %add3A_618 {offsets = [0, 0], sizes = [2, 64], strides = [1, 1]} : vector<4x64xf32> to vector<2x64xf32>
      %slice3A_620 = vector.extract_strided_slice %add3A_618 {offsets = [2, 0], sizes = [2, 64], strides = [1, 1]} : vector<4x64xf32> to vector<2x64xf32>
      %add3A_621 = arith.addf %slice3A_619, %slice3A_620 : vector<2x64xf32>
      %slice3A_622 = vector.extract_strided_slice %add3A_621 {offsets = [0, 0], sizes = [1, 64], strides = [1, 1]} : vector<2x64xf32> to vector<1x64xf32>
      %slice3A_623 = vector.extract_strided_slice %add3A_621 {offsets = [1, 0], sizes = [1, 64], strides = [1, 1]} : vector<2x64xf32> to vector<1x64xf32>
      %add3A_624 = arith.addf %slice3A_622, %slice3A_623 : vector<1x64xf32>
      %mul3A_625 = arith.constant 2.44140625E-4 : f32
      %mul3A_626 = vector.broadcast %mul3A_625 : f32 to vector<1x64xf32>
      %mul3A_627 = arith.mulf %add3A_624, %mul3A_626 : vector<1x64xf32>
      %get3A_628 = arith.constant 0 : index
      %get3A_629 = arith.constant 0 : index
      %get3A_630 = vector.load %arg12[%get3A_628, %get3A_629] : memref<4096x64xf32, #tpu.memory_space<vmem>>, vector<4096x64xf32>
      %add3A_631 = vector.broadcast %mul3A_627 : vector<1x64xf32> to vector<4096x64xf32>
      %add3A_632 = arith.addf %get3A_630, %add3A_631 : vector<4096x64xf32>
      %mul3A_633 = arith.constant 5.000000e-01 : f32
      %mul3A_634 = vector.broadcast %mul3A_633 : f32 to vector<4096x64xf32>
      %mul3A_635 = arith.mulf %add3A_632, %mul3A_634 : vector<4096x64xf32>
      %get3A_636 = arith.constant 0 : index
      %get3A_637 = arith.constant 0 : index
      %get3A_638 = vector.load %arg4[%get3A_636, %get3A_637] : memref<64x64xf32, #tpu.memory_space<vmem>>, vector<64x64xf32>
      %dot_general3A_639 = arith.constant dense<0.000000e+00> : vector<4096x64xf32>
      %dot_general3A_640 = tpu.matmul %mul3A_635, %get3A_638, %dot_general3A_639 {dimension_numbers = #tpu.dot_dimension_numbers<[1], [0], [0], [1], [0, 0, 1, 1], [], []>, transpose_lhs_hint = false} : vector<4096x64xf32>, vector<64x64xf32>, vector<4096x64xf32> -> vector<4096x64xf32>
      %get3A_641 = arith.constant 0 : index
      %get3A_642 = arith.constant 0 : index
      %get3A_643 = vector.load %arg5[%get3A_641, %get3A_642] : memref<1x64xf32, #tpu.memory_space<vmem>>, vector<1x64xf32>
      %add3A_644 = vector.broadcast %get3A_643 : vector<1x64xf32> to vector<4096x64xf32>
      %add3A_645 = arith.addf %dot_general3A_640, %add3A_644 : vector<4096x64xf32>
      %swap3A_646 = arith.constant 0 : index
      %swap3A_647 = arith.constant 0 : index
      %swap3A_648 = vector.load %arg13[%swap3A_646, %swap3A_647] : memref<4096x64xf32, #tpu.memory_space<vmem>>, vector<4096x64xf32>
      tpu.vector_store %arg13[%swap3A_646, %swap3A_647], %add3A_645 {strides = array<i32>} : memref<4096x64xf32, #tpu.memory_space<vmem>>, vector<4096x64xf32>,
      %get3A_649 = arith.constant 0 : index
      %get3A_650 = arith.constant 0 : index
      %get3A_651 = vector.load %arg6[%get3A_649, %get3A_650] : memref<64x64xf32, #tpu.memory_space<vmem>>, vector<64x64xf32>
      %dot_general3A_652 = arith.constant dense<0.000000e+00> : vector<4096x64xf32>
      %dot_general3A_653 = tpu.matmul %mul3A_635, %get3A_651, %dot_general3A_652 {dimension_numbers = #tpu.dot_dimension_numbers<[1], [0], [0], [1], [0, 0, 1, 1], [], []>, transpose_lhs_hint = false} : vector<4096x64xf32>, vector<64x64xf32>, vector<4096x64xf32> -> vector<4096x64xf32>
      %get3A_654 = arith.constant 0 : index
      %get3A_655 = arith.constant 0 : index
      %get3A_656 = vector.load %arg7[%get3A_654, %get3A_655] : memref<1x64xf32, #tpu.memory_space<vmem>>, vector<1x64xf32>
      %add3A_657 = vector.broadcast %get3A_656 : vector<1x64xf32> to vector<4096x64xf32>
      %add3A_658 = arith.addf %dot_general3A_653, %add3A_657 : vector<4096x64xf32>
      %swap3A_659 = arith.constant 0 : index
      %swap3A_660 = arith.constant 0 : index
      %swap3A_661 = vector.load %arg14[%swap3A_659, %swap3A_660] : memref<4096x64xf32, #tpu.memory_space<vmem>>, vector<4096x64xf32>
      tpu.vector_store %arg14[%swap3A_659, %swap3A_660], %add3A_658 {strides = array<i32>} : memref<4096x64xf32, #tpu.memory_space<vmem>>, vector<4096x64xf32>,
      %get3A_662 = arith.constant 0 : index
      %get3A_663 = arith.constant 0 : index
      %get3A_664 = vector.load %arg13[%get3A_662, %get3A_663] : memref<4096x64xf32, #tpu.memory_space<vmem>>, vector<4096x64xf32>
      %swap3A_665 = arith.constant 0 : index
      %swap3A_666 = arith.constant 0 : index
      %swap3A_667 = vector.load %arg8[%swap3A_665, %swap3A_666] : memref<4096x64xf32, #tpu.memory_space<vmem>>, vector<4096x64xf32>
      tpu.vector_store %arg8[%swap3A_665, %swap3A_666], %get3A_664 {strides = array<i32>} : memref<4096x64xf32, #tpu.memory_space<vmem>>, vector<4096x64xf32>,
      %get3A_668 = arith.constant 0 : index
      %get3A_669 = arith.constant 0 : index
      %get3A_670 = vector.load %arg14[%get3A_668, %get3A_669] : memref<4096x64xf32, #tpu.memory_space<vmem>>, vector<4096x64xf32>
      %swap3A_671 = arith.constant 0 : index
      %swap3A_672 = arith.constant 0 : index
      %swap3A_673 = vector.load %arg9[%swap3A_671, %swap3A_672] : memref<4096x64xf32, #tpu.memory_space<vmem>>, vector<4096x64xf32>
      tpu.vector_store %arg9[%swap3A_671, %swap3A_672], %get3A_670 {strides = array<i32>} : memref<4096x64xf32, #tpu.memory_space<vmem>>, vector<4096x64xf32>,
    } else {
    }
    %mul3A = arith.constant 256 : i32
    %mul3A_2 = arith.muli %arg0, %mul3A : i32
    %get3A = arith.index_cast %mul3A_2 : i32 to index
    %get3A_3 = arith.constant 0 : index
    %get3A_4 = vector.load %arg13[%get3A, %get3A_3] : memref<4096x64xf32, #tpu.memory_space<vmem>>, vector<256x64xf32>
    %get3A_5 = arith.constant 0 : index
    %get3A_6 = arith.constant 0 : index
    %get3A_7 = vector.load %arg14[%get3A_5, %get3A_6] : memref<4096x64xf32, #tpu.memory_space<vmem>>, vector<4096x64xf32>
    %mul3A_8 = arith.constant 1.250000e-01 : f32
    %mul3A_9 = vector.broadcast %mul3A_8 : f32 to vector<256x64xf32>
    %mul3A_10 = arith.mulf %get3A_4, %mul3A_9 : vector<256x64xf32>
    %dot_general3A = arith.constant dense<0.000000e+00> : vector<256x4096xf32>
    %dot_general3A_11 = tpu.matmul %mul3A_10, %get3A_7, %dot_general3A {dimension_numbers = #tpu.dot_dimension_numbers<[1], [1], [0], [0], [0, 0, 1, 0], [], []>, transpose_lhs_hint = false} : vector<256x64xf32>, vector<4096x64xf32>, vector<256x4096xf32> -> vector<256x4096xf32>
    %iota3A = tpu.iota {dimensions = array<i32: 1>} : vector<256x4096xi32>
    %reduce_max3A = arith.constant dense<0xFF800000> : vector<256xf32>
    %reduce_max3A_12 = vector.multi_reduction <maximumf>, %dot_general3A_11, %reduce_max3A [1] : vector<256x4096xf32> to vector<256xf32>
    %broadcast_in_dim3A = vector.shape_cast %reduce_max3A_12 : vector<256xf32> to vector<256x1xf32>
    %eq3A_13 = vector.broadcast %broadcast_in_dim3A : vector<256x1xf32> to vector<256x4096xf32>
    %eq3A_14 = arith.cmpf oeq, %dot_general3A_11, %eq3A_13 : vector<256x4096xf32>
    %jit3A = arith.constant 4096 : i32
    %broadcast_in_dim3A_15 = vector.broadcast %jit3A : i32 to vector<256x4096xi32>
    %select_n3A = arith.select %eq3A_14, %iota3A, %broadcast_in_dim3A_15 : vector<256x4096xi1>, vector<256x4096xi32>
    %reduce_min3A = arith.constant dense<2147483647> : vector<256xi32>
    %reduce_min3A_16 = vector.multi_reduction <minsi>, %select_n3A, %reduce_min3A [1] : vector<256x4096xi32> to vector<256xi32>
    %broadcast_in_dim3A_17 = vector.shape_cast %reduce_min3A_16 : vector<256xi32> to vector<256x1xi32>
    %eq3A_18 = vector.broadcast %broadcast_in_dim3A_17 : vector<256x1xi32> to vector<256x4096xi32>
    %eq3A_19 = arith.cmpi eq, %iota3A, %eq3A_18 : vector<256x4096xi32>
    %jit3A_20 = arith.constant -1.000000e+30 : f32
    %broadcast_in_dim3A_21 = vector.broadcast %jit3A_20 : f32 to vector<256x4096xf32>
    %select_n3A_22 = arith.select %eq3A_19, %broadcast_in_dim3A_21, %dot_general3A_11 : vector<256x4096xi1>, vector<256x4096xf32>
    %reduce_max3A_23 = arith.constant dense<0xFF800000> : vector<256xf32>
    %reduce_max3A_24 = vector.multi_reduction <maximumf>, %select_n3A_22, %reduce_max3A_23 [1] : vector<256x4096xf32> to vector<256xf32>
    %broadcast_in_dim3A_25 = vector.shape_cast %reduce_max3A_24 : vector<256xf32> to vector<256x1xf32>
    %eq3A_26 = vector.broadcast %broadcast_in_dim3A_25 : vector<256x1xf32> to vector<256x4096xf32>
    %eq3A_27 = arith.cmpf oeq, %select_n3A_22, %eq3A_26 : vector<256x4096xf32>
    %jit3A_28 = arith.constant 4096 : i32
    %broadcast_in_dim3A_29 = vector.broadcast %jit3A_28 : i32 to vector<256x4096xi32>
    %select_n3A_30 = arith.select %eq3A_27, %iota3A, %broadcast_in_dim3A_29 : vector<256x4096xi1>, vector<256x4096xi32>
    %reduce_min3A_31 = arith.constant dense<2147483647> : vector<256xi32>
    %reduce_min3A_32 = vector.multi_reduction <minsi>, %select_n3A_30, %reduce_min3A_31 [1] : vector<256x4096xi32> to vector<256xi32>
    %broadcast_in_dim3A_33 = vector.shape_cast %reduce_min3A_32 : vector<256xi32> to vector<256x1xi32>
    %eq3A_34 = vector.broadcast %broadcast_in_dim3A_33 : vector<256x1xi32> to vector<256x4096xi32>
    %eq3A_35 = arith.cmpi eq, %iota3A, %eq3A_34 : vector<256x4096xi32>
    %jit3A_36 = arith.constant -1.000000e+30 : f32
    %broadcast_in_dim3A_37 = vector.broadcast %jit3A_36 : f32 to vector<256x4096xf32>
    %select_n3A_38 = arith.select %eq3A_35, %broadcast_in_dim3A_37, %select_n3A_22 : vector<256x4096xi1>, vector<256x4096xf32>
    %reduce_max3A_39 = arith.constant dense<0xFF800000> : vector<256xf32>
    %reduce_max3A_40 = vector.multi_reduction <maximumf>, %select_n3A_38, %reduce_max3A_39 [1] : vector<256x4096xf32> to vector<256xf32>
    %broadcast_in_dim3A_41 = vector.shape_cast %reduce_max3A_40 : vector<256xf32> to vector<256x1xf32>
    %eq3A_42 = vector.broadcast %broadcast_in_dim3A_41 : vector<256x1xf32> to vector<256x4096xf32>
    %eq3A_43 = arith.cmpf oeq, %select_n3A_38, %eq3A_42 : vector<256x4096xf32>
    %jit3A_44 = arith.constant 4096 : i32
    %broadcast_in_dim3A_45 = vector.broadcast %jit3A_44 : i32 to vector<256x4096xi32>
    %select_n3A_46 = arith.select %eq3A_43, %iota3A, %broadcast_in_dim3A_45 : vector<256x4096xi1>, vector<256x4096xi32>
    %reduce_min3A_47 = arith.constant dense<2147483647> : vector<256xi32>
    %reduce_min3A_48 = vector.multi_reduction <minsi>, %select_n3A_46, %reduce_min3A_47 [1] : vector<256x4096xi32> to vector<256xi32>
    %broadcast_in_dim3A_49 = vector.shape_cast %reduce_min3A_48 : vector<256xi32> to vector<256x1xi32>
    %eq3A_50 = vector.broadcast %broadcast_in_dim3A_49 : vector<256x1xi32> to vector<256x4096xi32>
    %eq3A_51 = arith.cmpi eq, %iota3A, %eq3A_50 : vector<256x4096xi32>
    %jit3A_52 = arith.constant -1.000000e+30 : f32
    %broadcast_in_dim3A_53 = vector.broadcast %jit3A_52 : f32 to vector<256x4096xf32>
    %select_n3A_54 = arith.select %eq3A_51, %broadcast_in_dim3A_53, %select_n3A_38 : vector<256x4096xi1>, vector<256x4096xf32>
    %reduce_max3A_55 = arith.constant dense<0xFF800000> : vector<256xf32>
    %reduce_max3A_56 = vector.multi_reduction <maximumf>, %select_n3A_54, %reduce_max3A_55 [1] : vector<256x4096xf32> to vector<256xf32>
    %broadcast_in_dim3A_57 = vector.shape_cast %reduce_max3A_56 : vector<256xf32> to vector<256x1xf32>
    %eq3A_58 = vector.broadcast %broadcast_in_dim3A_57 : vector<256x1xf32> to vector<256x4096xf32>
    %eq3A_59 = arith.cmpf oeq, %select_n3A_54, %eq3A_58 : vector<256x4096xf32>
    %jit3A_60 = arith.constant 4096 : i32
    %broadcast_in_dim3A_61 = vector.broadcast %jit3A_60 : i32 to vector<256x4096xi32>
    %select_n3A_62 = arith.select %eq3A_59, %iota3A, %broadcast_in_dim3A_61 : vector<256x4096xi1>, vector<256x4096xi32>
    %reduce_min3A_63 = arith.constant dense<2147483647> : vector<256xi32>
    %reduce_min3A_64 = vector.multi_reduction <minsi>, %select_n3A_62, %reduce_min3A_63 [1] : vector<256x4096xi32> to vector<256xi32>
    %broadcast_in_dim3A_65 = vector.shape_cast %reduce_min3A_64 : vector<256xi32> to vector<256x1xi32>
    %eq3A_66 = vector.broadcast %broadcast_in_dim3A_65 : vector<256x1xi32> to vector<256x4096xi32>
    %eq3A_67 = arith.cmpi eq, %iota3A, %eq3A_66 : vector<256x4096xi32>
    %jit3A_68 = arith.constant -1.000000e+30 : f32
    %broadcast_in_dim3A_69 = vector.broadcast %jit3A_68 : f32 to vector<256x4096xf32>
    %select_n3A_70 = arith.select %eq3A_67, %broadcast_in_dim3A_69, %select_n3A_54 : vector<256x4096xi1>, vector<256x4096xf32>
    %reduce_max3A_71 = arith.constant dense<0xFF800000> : vector<256xf32>
    %reduce_max3A_72 = vector.multi_reduction <maximumf>, %select_n3A_70, %reduce_max3A_71 [1] : vector<256x4096xf32> to vector<256xf32>
    %broadcast_in_dim3A_73 = vector.shape_cast %reduce_max3A_72 : vector<256xf32> to vector<256x1xf32>
    %eq3A_74 = vector.broadcast %broadcast_in_dim3A_73 : vector<256x1xf32> to vector<256x4096xf32>
    %eq3A_75 = arith.cmpf oeq, %select_n3A_70, %eq3A_74 : vector<256x4096xf32>
    %jit3A_76 = arith.constant 4096 : i32
    %broadcast_in_dim3A_77 = vector.broadcast %jit3A_76 : i32 to vector<256x4096xi32>
    %select_n3A_78 = arith.select %eq3A_75, %iota3A, %broadcast_in_dim3A_77 : vector<256x4096xi1>, vector<256x4096xi32>
    %reduce_min3A_79 = arith.constant dense<2147483647> : vector<256xi32>
    %reduce_min3A_80 = vector.multi_reduction <minsi>, %select_n3A_78, %reduce_min3A_79 [1] : vector<256x4096xi32> to vector<256xi32>
    %broadcast_in_dim3A_81 = vector.shape_cast %reduce_min3A_80 : vector<256xi32> to vector<256x1xi32>
    %eq3A_82 = vector.broadcast %broadcast_in_dim3A_81 : vector<256x1xi32> to vector<256x4096xi32>
    %eq3A_83 = arith.cmpi eq, %iota3A, %eq3A_82 : vector<256x4096xi32>
    %jit3A_84 = arith.constant -1.000000e+30 : f32
    %broadcast_in_dim3A_85 = vector.broadcast %jit3A_84 : f32 to vector<256x4096xf32>
    %select_n3A_86 = arith.select %eq3A_83, %broadcast_in_dim3A_85, %select_n3A_70 : vector<256x4096xi1>, vector<256x4096xf32>
    %reduce_max3A_87 = arith.constant dense<0xFF800000> : vector<256xf32>
    %reduce_max3A_88 = vector.multi_reduction <maximumf>, %select_n3A_86, %reduce_max3A_87 [1] : vector<256x4096xf32> to vector<256xf32>
    %broadcast_in_dim3A_89 = vector.shape_cast %reduce_max3A_88 : vector<256xf32> to vector<256x1xf32>
    %eq3A_90 = vector.broadcast %broadcast_in_dim3A_89 : vector<256x1xf32> to vector<256x4096xf32>
    %eq3A_91 = arith.cmpf oeq, %select_n3A_86, %eq3A_90 : vector<256x4096xf32>
    %jit3A_92 = arith.constant 4096 : i32
    %broadcast_in_dim3A_93 = vector.broadcast %jit3A_92 : i32 to vector<256x4096xi32>
    %select_n3A_94 = arith.select %eq3A_91, %iota3A, %broadcast_in_dim3A_93 : vector<256x4096xi1>, vector<256x4096xi32>
    %reduce_min3A_95 = arith.constant dense<2147483647> : vector<256xi32>
    %reduce_min3A_96 = vector.multi_reduction <minsi>, %select_n3A_94, %reduce_min3A_95 [1] : vector<256x4096xi32> to vector<256xi32>
    %broadcast_in_dim3A_97 = vector.shape_cast %reduce_min3A_96 : vector<256xi32> to vector<256x1xi32>
    %concatenate3A = tpu.concatenate %broadcast_in_dim3A, %broadcast_in_dim3A_25, %broadcast_in_dim3A_41, %broadcast_in_dim3A_57, %broadcast_in_dim3A_73, %broadcast_in_dim3A_89 in 1 : vector<256x1xf32>, vector<256x1xf32>, vector<256x1xf32>, vector<256x1xf32>, vector<256x1xf32>, vector<256x1xf32> -> vector<256x6xf32>
    %swap3A = arith.constant 0 : index
    %swap3A_98 = arith.constant 0 : index
    %swap3A_99 = vector.load %arg10[%swap3A, %swap3A_98] : memref<256x6xf32, #tpu.memory_space<vmem>>, vector<256x6xf32>
    tpu.vector_store %arg10[%swap3A, %swap3A_98], %concatenate3A {strides = array<i32>} : memref<256x6xf32, #tpu.memory_space<vmem>>, vector<256x6xf32>,
    %concatenate3A_100 = tpu.concatenate %broadcast_in_dim3A_17, %broadcast_in_dim3A_33, %broadcast_in_dim3A_49, %broadcast_in_dim3A_65, %broadcast_in_dim3A_81, %broadcast_in_dim3A_97 in 1 : vector<256x1xi32>, vector<256x1xi32>, vector<256x1xi32>, vector<256x1xi32>, vector<256x1xi32>, vector<256x1xi32> -> vector<256x6xi32>
    %swap3A_101 = arith.constant 0 : index
    %swap3A_102 = arith.constant 0 : index
    %swap3A_103 = vector.load %arg11[%swap3A_101, %swap3A_102] : memref<256x6xi32, #tpu.memory_space<vmem>>, vector<256x6xi32>
    tpu.vector_store %arg11[%swap3A_101, %swap3A_102], %concatenate3A_100 {strides = array<i32>} : memref<256x6xi32, #tpu.memory_space<vmem>>, vector<256x6xi32>,
    return
  }
  func.func @transform_0(%arg0: i32) -> (i32, i32) {
    %c0_i32 = arith.constant 0 : i32
    %c0_i32_0 = arith.constant 0 : i32
    %c0_i32_1 = arith.constant 0 : i32
    return %c0_i32, %c0_i32_0 : i32, i32
  }
  func.func @transform_1(%arg0: i32) -> (i32, i32) {
    %c0_i32 = arith.constant 0 : i32
    %c0_i32_0 = arith.constant 0 : i32
    %c0_i32_1 = arith.constant 0 : i32
    return %c0_i32, %c0_i32_0 : i32, i32
  }
  func.func @transform_2(%arg0: i32) -> (i32, i32) {
    %c0_i32 = arith.constant 0 : i32
    %c0_i32_0 = arith.constant 0 : i32
    %c0_i32_1 = arith.constant 0 : i32
    return %c0_i32, %c0_i32_0 : i32, i32
  }
  func.func @transform_3(%arg0: i32) -> (i32, i32) {
    %c0_i32 = arith.constant 0 : i32
    %c0_i32_0 = arith.constant 0 : i32
    %c0_i32_1 = arith.constant 0 : i32
    return %c0_i32, %c0_i32_0 : i32, i32
  }
  func.func @transform_4(%arg0: i32) -> (i32, i32) {
    %c0_i32 = arith.constant 0 : i32
    %c0_i32_0 = arith.constant 0 : i32
    %c0_i32_1 = arith.constant 0 : i32
    return %c0_i32, %c0_i32_0 : i32, i32
  }
  func.func @transform_5(%arg0: i32) -> (i32, i32) {
    %c0_i32 = arith.constant 0 : i32
    %c0_i32_0 = arith.constant 0 : i32
    %c0_i32_1 = arith.constant 0 : i32
    return %c0_i32, %c0_i32_0 : i32, i32
  }
  func.func @transform_6(%arg0: i32) -> (i32, i32) {
    %c0_i32 = arith.constant 0 : i32
    %c0_i32_0 = arith.constant 0 : i32
    %c0_i32_1 = arith.constant 0 : i32
    return %c0_i32, %c0_i32_0 : i32, i32
  }
  func.func @transform_7(%arg0: i32) -> (i32, i32) {
    %c0_i32 = arith.constant 0 : i32
    %c0_i32_0 = arith.constant 0 : i32
    %c0_i32_1 = arith.constant 0 : i32
    return %c0_i32, %c0_i32_0 : i32, i32
  }
  func.func @transform_8(%arg0: i32) -> (i32, i32) {
    %c0_i32 = arith.constant 0 : i32
    %c0_i32_0 = arith.constant 0 : i32
    %c0_i32_1 = arith.constant 0 : i32
    return %c0_i32, %c0_i32_0 : i32, i32
  }
  func.func @transform_9(%arg0: i32) -> (i32, i32) {
    %c0_i32 = arith.constant 0 : i32
    %c0_i32_0 = arith.constant 0 : i32
    return %arg0, %c0_i32 : i32, i32
  }
  func.func @transform_10(%arg0: i32) -> (i32, i32) {
    %c0_i32 = arith.constant 0 : i32
    %c0_i32_0 = arith.constant 0 : i32
    return %arg0, %c0_i32 : i32, i32
  }
}

module attributes {stable_mosaic.version = 14 : i64} {
  func.func @_tail_body(%arg0: i32, %arg1: memref<256x64xf32, #tpu.memory_space<vmem>>, %arg2: memref<256x6xf32, #tpu.memory_space<vmem>>, %arg3: memref<6x256x64xf32, #tpu.memory_space<vmem>>, %arg4: memref<64x64xf32, #tpu.memory_space<vmem>>, %arg5: memref<1x64xf32, #tpu.memory_space<vmem>>, %arg6: memref<64x64xf32, #tpu.memory_space<vmem>>, %arg7: memref<1x64xf32, #tpu.memory_space<vmem>>, %arg8: memref<1x64xf32, #tpu.memory_space<vmem>>, %arg9: memref<1x64xf32, #tpu.memory_space<vmem>>, %arg10: memref<64x2xf32, #tpu.memory_space<vmem>>, %arg11: memref<1x2xf32, #tpu.memory_space<vmem>>, %arg12: memref<1x2xf32, #tpu.memory_space<vmem>>, %arg13: memref<1x64xf32, #tpu.memory_space<vmem>>) attributes {dimension_semantics = [#tpu.dimension_semantics<arbitrary>], iteration_bounds = array<i64: 16>, scalar_prefetch = 0 : i64, scratch_operands = 1 : i64, tpu.core_type = #tpu.core_type<tc>, window_params = [{transform_indices = @transform_0, window_bounds = array<i64: 256, 64>}, {transform_indices = @transform_1, window_bounds = array<i64: 256, 6>}, {transform_indices = @transform_2, window_bounds = array<i64: 6, 256, 64>}, {pipeline_mode = #tpu.pipeline_mode<synchronous>, transform_indices = @transform_3, window_bounds = array<i64: 64, 64>}, {pipeline_mode = #tpu.pipeline_mode<synchronous>, transform_indices = @transform_4, window_bounds = array<i64: 1, 64>}, {pipeline_mode = #tpu.pipeline_mode<synchronous>, transform_indices = @transform_5, window_bounds = array<i64: 64, 64>}, {pipeline_mode = #tpu.pipeline_mode<synchronous>, transform_indices = @transform_6, window_bounds = array<i64: 1, 64>}, {pipeline_mode = #tpu.pipeline_mode<synchronous>, transform_indices = @transform_7, window_bounds = array<i64: 1, 64>}, {pipeline_mode = #tpu.pipeline_mode<synchronous>, transform_indices = @transform_8, window_bounds = array<i64: 1, 64>}, {pipeline_mode = #tpu.pipeline_mode<synchronous>, transform_indices = @transform_9, window_bounds = array<i64: 64, 2>}, {pipeline_mode = #tpu.pipeline_mode<synchronous>, transform_indices = @transform_10, window_bounds = array<i64: 1, 2>}, {pipeline_mode = #tpu.pipeline_mode<synchronous>, transform_indices = @transform_11, window_bounds = array<i64: 1, 2>}]} {
    %eq3A = arith.constant 0 : i32
    %eq3A_0 = arith.cmpi eq, %arg0, %eq3A : i32
    %convert_element_type3A = arith.extui %eq3A_0 : i1 to i32
    %cond3A = arith.constant 0 : i32
    %cond3A_1 = arith.cmpi ne, %convert_element_type3A, %cond3A : i32
    scf.if %cond3A_1 {
      %broadcast_in_dim3A_241 = arith.constant 0.000000e+00 : f32
      %broadcast_in_dim3A_242 = vector.broadcast %broadcast_in_dim3A_241 : f32 to vector<1x64xf32>
      %swap3A_243 = arith.constant 0 : index
      %swap3A_244 = arith.constant 0 : index
      %swap3A_245 = vector.load %arg13[%swap3A_243, %swap3A_244] : memref<1x64xf32, #tpu.memory_space<vmem>>, vector<1x64xf32>
      tpu.vector_store %arg13[%swap3A_243, %swap3A_244], %broadcast_in_dim3A_242 {strides = array<i32>} : memref<1x64xf32, #tpu.memory_space<vmem>>, vector<1x64xf32>,
    } else {
    }
    %get3A = arith.constant 0 : index
    %get3A_2 = arith.constant 0 : index
    %get3A_3 = vector.load %arg1[%get3A, %get3A_2] : memref<256x64xf32, #tpu.memory_space<vmem>>, vector<256x64xf32>
    %get3A_4 = arith.constant 0 : index
    %get3A_5 = arith.constant 0 : index
    %get3A_6 = vector.load %arg2[%get3A_4, %get3A_5] : memref<256x6xf32, #tpu.memory_space<vmem>>, vector<256x6xf32>
    %get3A_7 = arith.constant 0 : index
    %get3A_8 = arith.constant 0 : index
    %get3A_9 = arith.constant 0 : index
    %get3A_10 = vector.load %arg3[%get3A_7, %get3A_8, %get3A_9] : memref<6x256x64xf32, #tpu.memory_space<vmem>>, vector<1x256x64xf32>
    %get3A_11 = vector.shape_cast %get3A_10 : vector<1x256x64xf32> to vector<256x64xf32>
    %get3A_12 = arith.constant 1 : index
    %get3A_13 = arith.constant 0 : index
    %get3A_14 = arith.constant 0 : index
    %get3A_15 = vector.load %arg3[%get3A_12, %get3A_13, %get3A_14] : memref<6x256x64xf32, #tpu.memory_space<vmem>>, vector<1x256x64xf32>
    %get3A_16 = vector.shape_cast %get3A_15 : vector<1x256x64xf32> to vector<256x64xf32>
    %get3A_17 = arith.constant 2 : index
    %get3A_18 = arith.constant 0 : index
    %get3A_19 = arith.constant 0 : index
    %get3A_20 = vector.load %arg3[%get3A_17, %get3A_18, %get3A_19] : memref<6x256x64xf32, #tpu.memory_space<vmem>>, vector<1x256x64xf32>
    %get3A_21 = vector.shape_cast %get3A_20 : vector<1x256x64xf32> to vector<256x64xf32>
    %get3A_22 = arith.constant 3 : index
    %get3A_23 = arith.constant 0 : index
    %get3A_24 = arith.constant 0 : index
    %get3A_25 = vector.load %arg3[%get3A_22, %get3A_23, %get3A_24] : memref<6x256x64xf32, #tpu.memory_space<vmem>>, vector<1x256x64xf32>
    %get3A_26 = vector.shape_cast %get3A_25 : vector<1x256x64xf32> to vector<256x64xf32>
    %get3A_27 = arith.constant 4 : index
    %get3A_28 = arith.constant 0 : index
    %get3A_29 = arith.constant 0 : index
    %get3A_30 = vector.load %arg3[%get3A_27, %get3A_28, %get3A_29] : memref<6x256x64xf32, #tpu.memory_space<vmem>>, vector<1x256x64xf32>
    %get3A_31 = vector.shape_cast %get3A_30 : vector<1x256x64xf32> to vector<256x64xf32>
    %get3A_32 = arith.constant 5 : index
    %get3A_33 = arith.constant 0 : index
    %get3A_34 = arith.constant 0 : index
    %get3A_35 = vector.load %arg3[%get3A_32, %get3A_33, %get3A_34] : memref<6x256x64xf32, #tpu.memory_space<vmem>>, vector<1x256x64xf32>
    %get3A_36 = vector.shape_cast %get3A_35 : vector<1x256x64xf32> to vector<256x64xf32>
    %slice3A = vector.extract_strided_slice %get3A_6 {offsets = [0, 0], sizes = [256, 1], strides = [1, 1]} : vector<256x6xf32> to vector<256x1xf32>
    %sub3A = vector.broadcast %slice3A : vector<256x1xf32> to vector<256x6xf32>
    %sub3A_37 = arith.subf %get3A_6, %sub3A : vector<256x6xf32>
    %exp3A = math.exp %sub3A_37 : vector<256x6xf32>
    %reduce_sum3A = arith.constant dense<0.000000e+00> : vector<256xf32>
    %reduce_sum3A_38 = vector.multi_reduction <add>, %exp3A, %reduce_sum3A [1] : vector<256x6xf32> to vector<256xf32>
    %broadcast_in_dim3A = vector.shape_cast %reduce_sum3A_38 : vector<256xf32> to vector<256x1xf32>
    %slice3A_39 = vector.extract_strided_slice %exp3A {offsets = [0, 0], sizes = [256, 1], strides = [1, 1]} : vector<256x6xf32> to vector<256x1xf32>
    %div3A = arith.divf %slice3A_39, %broadcast_in_dim3A : vector<256x1xf32>
    %slice3A_40 = vector.extract_strided_slice %exp3A {offsets = [0, 1], sizes = [256, 1], strides = [1, 1]} : vector<256x6xf32> to vector<256x1xf32>
    %div3A_41 = arith.divf %slice3A_40, %broadcast_in_dim3A : vector<256x1xf32>
    %slice3A_42 = vector.extract_strided_slice %exp3A {offsets = [0, 2], sizes = [256, 1], strides = [1, 1]} : vector<256x6xf32> to vector<256x1xf32>
    %div3A_43 = arith.divf %slice3A_42, %broadcast_in_dim3A : vector<256x1xf32>
    %slice3A_44 = vector.extract_strided_slice %exp3A {offsets = [0, 3], sizes = [256, 1], strides = [1, 1]} : vector<256x6xf32> to vector<256x1xf32>
    %div3A_45 = arith.divf %slice3A_44, %broadcast_in_dim3A : vector<256x1xf32>
    %slice3A_46 = vector.extract_strided_slice %exp3A {offsets = [0, 4], sizes = [256, 1], strides = [1, 1]} : vector<256x6xf32> to vector<256x1xf32>
    %div3A_47 = arith.divf %slice3A_46, %broadcast_in_dim3A : vector<256x1xf32>
    %slice3A_48 = vector.extract_strided_slice %exp3A {offsets = [0, 5], sizes = [256, 1], strides = [1, 1]} : vector<256x6xf32> to vector<256x1xf32>
    %div3A_49 = arith.divf %slice3A_48, %broadcast_in_dim3A : vector<256x1xf32>
    %mul3A = vector.broadcast %div3A : vector<256x1xf32> to vector<256x64xf32>
    %mul3A_50 = arith.mulf %mul3A, %get3A_11 : vector<256x64xf32>
    %sub3A_51 = arith.constant 1.000000e+00 : f32
    %sub3A_52 = vector.broadcast %sub3A_51 : f32 to vector<256x1xf32>
    %sub3A_53 = arith.subf %sub3A_52, %div3A : vector<256x1xf32>
    %mul3A_54 = vector.broadcast %sub3A_53 : vector<256x1xf32> to vector<256x64xf32>
    %mul3A_55 = arith.mulf %mul3A_54, %get3A_3 : vector<256x64xf32>
    %add3A = arith.addf %mul3A_50, %mul3A_55 : vector<256x64xf32>
    %add3A_56 = arith.addf %get3A_3, %add3A : vector<256x64xf32>
    %tanh3A = math.tanh %add3A_56 : vector<256x64xf32>
    %reduce_sum3A_57 = arith.constant dense<0.000000e+00> : vector<256xf32>
    %reduce_sum3A_58 = vector.multi_reduction <add>, %get3A_11, %reduce_sum3A_57 [1] : vector<256x64xf32> to vector<256xf32>
    %broadcast_in_dim3A_59 = vector.shape_cast %reduce_sum3A_58 : vector<256xf32> to vector<256x1xf32>
    %reduce_sum3A_60 = arith.constant dense<0.000000e+00> : vector<256xf32>
    %reduce_sum3A_61 = vector.multi_reduction <add>, %tanh3A, %reduce_sum3A_60 [1] : vector<256x64xf32> to vector<256xf32>
    %broadcast_in_dim3A_62 = vector.shape_cast %reduce_sum3A_61 : vector<256xf32> to vector<256x1xf32>
    %mul3A_63 = arith.mulf %broadcast_in_dim3A_59, %broadcast_in_dim3A_62 : vector<256x1xf32>
    %mul3A_64 = vector.broadcast %div3A_41 : vector<256x1xf32> to vector<256x64xf32>
    %mul3A_65 = arith.mulf %mul3A_64, %get3A_16 : vector<256x64xf32>
    %sub3A_66 = arith.constant 1.000000e+00 : f32
    %sub3A_67 = vector.broadcast %sub3A_66 : f32 to vector<256x1xf32>
    %sub3A_68 = arith.subf %sub3A_67, %div3A_41 : vector<256x1xf32>
    %mul3A_69 = vector.broadcast %sub3A_68 : vector<256x1xf32> to vector<256x64xf32>
    %mul3A_70 = arith.mulf %mul3A_69, %get3A_3 : vector<256x64xf32>
    %add3A_71 = arith.addf %mul3A_65, %mul3A_70 : vector<256x64xf32>
    %add3A_72 = arith.addf %get3A_3, %add3A_71 : vector<256x64xf32>
    %tanh3A_73 = math.tanh %add3A_72 : vector<256x64xf32>
    %reduce_sum3A_74 = arith.constant dense<0.000000e+00> : vector<256xf32>
    %reduce_sum3A_75 = vector.multi_reduction <add>, %get3A_16, %reduce_sum3A_74 [1] : vector<256x64xf32> to vector<256xf32>
    %broadcast_in_dim3A_76 = vector.shape_cast %reduce_sum3A_75 : vector<256xf32> to vector<256x1xf32>
    %reduce_sum3A_77 = arith.constant dense<0.000000e+00> : vector<256xf32>
    %reduce_sum3A_78 = vector.multi_reduction <add>, %tanh3A_73, %reduce_sum3A_77 [1] : vector<256x64xf32> to vector<256xf32>
    %broadcast_in_dim3A_79 = vector.shape_cast %reduce_sum3A_78 : vector<256xf32> to vector<256x1xf32>
    %mul3A_80 = arith.mulf %broadcast_in_dim3A_76, %broadcast_in_dim3A_79 : vector<256x1xf32>
    %mul3A_81 = vector.broadcast %div3A_43 : vector<256x1xf32> to vector<256x64xf32>
    %mul3A_82 = arith.mulf %mul3A_81, %get3A_21 : vector<256x64xf32>
    %sub3A_83 = arith.constant 1.000000e+00 : f32
    %sub3A_84 = vector.broadcast %sub3A_83 : f32 to vector<256x1xf32>
    %sub3A_85 = arith.subf %sub3A_84, %div3A_43 : vector<256x1xf32>
    %mul3A_86 = vector.broadcast %sub3A_85 : vector<256x1xf32> to vector<256x64xf32>
    %mul3A_87 = arith.mulf %mul3A_86, %get3A_3 : vector<256x64xf32>
    %add3A_88 = arith.addf %mul3A_82, %mul3A_87 : vector<256x64xf32>
    %add3A_89 = arith.addf %get3A_3, %add3A_88 : vector<256x64xf32>
    %tanh3A_90 = math.tanh %add3A_89 : vector<256x64xf32>
    %reduce_sum3A_91 = arith.constant dense<0.000000e+00> : vector<256xf32>
    %reduce_sum3A_92 = vector.multi_reduction <add>, %get3A_21, %reduce_sum3A_91 [1] : vector<256x64xf32> to vector<256xf32>
    %broadcast_in_dim3A_93 = vector.shape_cast %reduce_sum3A_92 : vector<256xf32> to vector<256x1xf32>
    %reduce_sum3A_94 = arith.constant dense<0.000000e+00> : vector<256xf32>
    %reduce_sum3A_95 = vector.multi_reduction <add>, %tanh3A_90, %reduce_sum3A_94 [1] : vector<256x64xf32> to vector<256xf32>
    %broadcast_in_dim3A_96 = vector.shape_cast %reduce_sum3A_95 : vector<256xf32> to vector<256x1xf32>
    %mul3A_97 = arith.mulf %broadcast_in_dim3A_93, %broadcast_in_dim3A_96 : vector<256x1xf32>
    %mul3A_98 = vector.broadcast %div3A_45 : vector<256x1xf32> to vector<256x64xf32>
    %mul3A_99 = arith.mulf %mul3A_98, %get3A_26 : vector<256x64xf32>
    %sub3A_100 = arith.constant 1.000000e+00 : f32
    %sub3A_101 = vector.broadcast %sub3A_100 : f32 to vector<256x1xf32>
    %sub3A_102 = arith.subf %sub3A_101, %div3A_45 : vector<256x1xf32>
    %mul3A_103 = vector.broadcast %sub3A_102 : vector<256x1xf32> to vector<256x64xf32>
    %mul3A_104 = arith.mulf %mul3A_103, %get3A_3 : vector<256x64xf32>
    %add3A_105 = arith.addf %mul3A_99, %mul3A_104 : vector<256x64xf32>
    %add3A_106 = arith.addf %get3A_3, %add3A_105 : vector<256x64xf32>
    %tanh3A_107 = math.tanh %add3A_106 : vector<256x64xf32>
    %reduce_sum3A_108 = arith.constant dense<0.000000e+00> : vector<256xf32>
    %reduce_sum3A_109 = vector.multi_reduction <add>, %get3A_26, %reduce_sum3A_108 [1] : vector<256x64xf32> to vector<256xf32>
    %broadcast_in_dim3A_110 = vector.shape_cast %reduce_sum3A_109 : vector<256xf32> to vector<256x1xf32>
    %reduce_sum3A_111 = arith.constant dense<0.000000e+00> : vector<256xf32>
    %reduce_sum3A_112 = vector.multi_reduction <add>, %tanh3A_107, %reduce_sum3A_111 [1] : vector<256x64xf32> to vector<256xf32>
    %broadcast_in_dim3A_113 = vector.shape_cast %reduce_sum3A_112 : vector<256xf32> to vector<256x1xf32>
    %mul3A_114 = arith.mulf %broadcast_in_dim3A_110, %broadcast_in_dim3A_113 : vector<256x1xf32>
    %mul3A_115 = vector.broadcast %div3A_47 : vector<256x1xf32> to vector<256x64xf32>
    %mul3A_116 = arith.mulf %mul3A_115, %get3A_31 : vector<256x64xf32>
    %sub3A_117 = arith.constant 1.000000e+00 : f32
    %sub3A_118 = vector.broadcast %sub3A_117 : f32 to vector<256x1xf32>
    %sub3A_119 = arith.subf %sub3A_118, %div3A_47 : vector<256x1xf32>
    %mul3A_120 = vector.broadcast %sub3A_119 : vector<256x1xf32> to vector<256x64xf32>
    %mul3A_121 = arith.mulf %mul3A_120, %get3A_3 : vector<256x64xf32>
    %add3A_122 = arith.addf %mul3A_116, %mul3A_121 : vector<256x64xf32>
    %add3A_123 = arith.addf %get3A_3, %add3A_122 : vector<256x64xf32>
    %tanh3A_124 = math.tanh %add3A_123 : vector<256x64xf32>
    %reduce_sum3A_125 = arith.constant dense<0.000000e+00> : vector<256xf32>
    %reduce_sum3A_126 = vector.multi_reduction <add>, %get3A_31, %reduce_sum3A_125 [1] : vector<256x64xf32> to vector<256xf32>
    %broadcast_in_dim3A_127 = vector.shape_cast %reduce_sum3A_126 : vector<256xf32> to vector<256x1xf32>
    %reduce_sum3A_128 = arith.constant dense<0.000000e+00> : vector<256xf32>
    %reduce_sum3A_129 = vector.multi_reduction <add>, %tanh3A_124, %reduce_sum3A_128 [1] : vector<256x64xf32> to vector<256xf32>
    %broadcast_in_dim3A_130 = vector.shape_cast %reduce_sum3A_129 : vector<256xf32> to vector<256x1xf32>
    %mul3A_131 = arith.mulf %broadcast_in_dim3A_127, %broadcast_in_dim3A_130 : vector<256x1xf32>
    %mul3A_132 = vector.broadcast %div3A_49 : vector<256x1xf32> to vector<256x64xf32>
    %mul3A_133 = arith.mulf %mul3A_132, %get3A_36 : vector<256x64xf32>
    %sub3A_134 = arith.constant 1.000000e+00 : f32
    %sub3A_135 = vector.broadcast %sub3A_134 : f32 to vector<256x1xf32>
    %sub3A_136 = arith.subf %sub3A_135, %div3A_49 : vector<256x1xf32>
    %mul3A_137 = vector.broadcast %sub3A_136 : vector<256x1xf32> to vector<256x64xf32>
    %mul3A_138 = arith.mulf %mul3A_137, %get3A_3 : vector<256x64xf32>
    %add3A_139 = arith.addf %mul3A_133, %mul3A_138 : vector<256x64xf32>
    %add3A_140 = arith.addf %get3A_3, %add3A_139 : vector<256x64xf32>
    %tanh3A_141 = math.tanh %add3A_140 : vector<256x64xf32>
    %reduce_sum3A_142 = arith.constant dense<0.000000e+00> : vector<256xf32>
    %reduce_sum3A_143 = vector.multi_reduction <add>, %get3A_36, %reduce_sum3A_142 [1] : vector<256x64xf32> to vector<256xf32>
    %broadcast_in_dim3A_144 = vector.shape_cast %reduce_sum3A_143 : vector<256xf32> to vector<256x1xf32>
    %reduce_sum3A_145 = arith.constant dense<0.000000e+00> : vector<256xf32>
    %reduce_sum3A_146 = vector.multi_reduction <add>, %tanh3A_141, %reduce_sum3A_145 [1] : vector<256x64xf32> to vector<256xf32>
    %broadcast_in_dim3A_147 = vector.shape_cast %reduce_sum3A_146 : vector<256xf32> to vector<256x1xf32>
    %mul3A_148 = arith.mulf %broadcast_in_dim3A_144, %broadcast_in_dim3A_147 : vector<256x1xf32>
    %max3A = arith.maximumf %mul3A_63, %mul3A_80 : vector<256x1xf32>
    %max3A_149 = arith.maximumf %max3A, %mul3A_97 : vector<256x1xf32>
    %max3A_150 = arith.maximumf %max3A_149, %mul3A_114 : vector<256x1xf32>
    %max3A_151 = arith.maximumf %max3A_150, %mul3A_131 : vector<256x1xf32>
    %max3A_152 = arith.maximumf %max3A_151, %mul3A_148 : vector<256x1xf32>
    %sub3A_153 = arith.subf %mul3A_63, %max3A_152 : vector<256x1xf32>
    %exp3A_154 = math.exp %sub3A_153 : vector<256x1xf32>
    %sub3A_155 = arith.subf %mul3A_80, %max3A_152 : vector<256x1xf32>
    %exp3A_156 = math.exp %sub3A_155 : vector<256x1xf32>
    %sub3A_157 = arith.subf %mul3A_97, %max3A_152 : vector<256x1xf32>
    %exp3A_158 = math.exp %sub3A_157 : vector<256x1xf32>
    %sub3A_159 = arith.subf %mul3A_114, %max3A_152 : vector<256x1xf32>
    %exp3A_160 = math.exp %sub3A_159 : vector<256x1xf32>
    %sub3A_161 = arith.subf %mul3A_131, %max3A_152 : vector<256x1xf32>
    %exp3A_162 = math.exp %sub3A_161 : vector<256x1xf32>
    %sub3A_163 = arith.subf %mul3A_148, %max3A_152 : vector<256x1xf32>
    %exp3A_164 = math.exp %sub3A_163 : vector<256x1xf32>
    %add3A_165 = arith.addf %exp3A_154, %exp3A_156 : vector<256x1xf32>
    %add3A_166 = arith.addf %add3A_165, %exp3A_158 : vector<256x1xf32>
    %add3A_167 = arith.addf %add3A_166, %exp3A_160 : vector<256x1xf32>
    %add3A_168 = arith.addf %add3A_167, %exp3A_162 : vector<256x1xf32>
    %add3A_169 = arith.addf %add3A_168, %exp3A_164 : vector<256x1xf32>
    %div3A_170 = arith.divf %exp3A_154, %add3A_169 : vector<256x1xf32>
    %mul3A_171 = vector.broadcast %div3A_170 : vector<256x1xf32> to vector<256x64xf32>
    %mul3A_172 = arith.mulf %mul3A_171, %get3A_11 : vector<256x64xf32>
    %div3A_173 = arith.divf %exp3A_156, %add3A_169 : vector<256x1xf32>
    %mul3A_174 = vector.broadcast %div3A_173 : vector<256x1xf32> to vector<256x64xf32>
    %mul3A_175 = arith.mulf %mul3A_174, %get3A_16 : vector<256x64xf32>
    %div3A_176 = arith.divf %exp3A_158, %add3A_169 : vector<256x1xf32>
    %mul3A_177 = vector.broadcast %div3A_176 : vector<256x1xf32> to vector<256x64xf32>
    %mul3A_178 = arith.mulf %mul3A_177, %get3A_21 : vector<256x64xf32>
    %div3A_179 = arith.divf %exp3A_160, %add3A_169 : vector<256x1xf32>
    %mul3A_180 = vector.broadcast %div3A_179 : vector<256x1xf32> to vector<256x64xf32>
    %mul3A_181 = arith.mulf %mul3A_180, %get3A_26 : vector<256x64xf32>
    %div3A_182 = arith.divf %exp3A_162, %add3A_169 : vector<256x1xf32>
    %mul3A_183 = vector.broadcast %div3A_182 : vector<256x1xf32> to vector<256x64xf32>
    %mul3A_184 = arith.mulf %mul3A_183, %get3A_31 : vector<256x64xf32>
    %div3A_185 = arith.divf %exp3A_164, %add3A_169 : vector<256x1xf32>
    %mul3A_186 = vector.broadcast %div3A_185 : vector<256x1xf32> to vector<256x64xf32>
    %mul3A_187 = arith.mulf %mul3A_186, %get3A_36 : vector<256x64xf32>
    %add3A_188 = arith.addf %mul3A_172, %mul3A_175 : vector<256x64xf32>
    %add3A_189 = arith.addf %add3A_188, %mul3A_178 : vector<256x64xf32>
    %add3A_190 = arith.addf %add3A_189, %mul3A_181 : vector<256x64xf32>
    %add3A_191 = arith.addf %add3A_190, %mul3A_184 : vector<256x64xf32>
    %add3A_192 = arith.addf %add3A_191, %mul3A_187 : vector<256x64xf32>
    %add3A_193 = arith.addf %get3A_3, %add3A_192 : vector<256x64xf32>
    %get3A_194 = arith.constant 0 : index
    %get3A_195 = arith.constant 0 : index
    %get3A_196 = vector.load %arg4[%get3A_194, %get3A_195] : memref<64x64xf32, #tpu.memory_space<vmem>>, vector<64x64xf32>
    %dot_general3A = arith.constant dense<0.000000e+00> : vector<256x64xf32>
    %dot_general3A_197 = tpu.matmul %add3A_193, %get3A_196, %dot_general3A {dimension_numbers = #tpu.dot_dimension_numbers<[1], [0], [0], [1], [0, 0, 1, 1], [], []>, transpose_lhs_hint = false} : vector<256x64xf32>, vector<64x64xf32>, vector<256x64xf32> -> vector<256x64xf32>
    %get3A_198 = arith.constant 0 : index
    %get3A_199 = arith.constant 0 : index
    %get3A_200 = vector.load %arg5[%get3A_198, %get3A_199] : memref<1x64xf32, #tpu.memory_space<vmem>>, vector<1x64xf32>
    %add3A_201 = vector.broadcast %get3A_200 : vector<1x64xf32> to vector<256x64xf32>
    %add3A_202 = arith.addf %dot_general3A_197, %add3A_201 : vector<256x64xf32>
    %ge3A = arith.constant 0.000000e+00 : f32
    %ge3A_203 = vector.broadcast %ge3A : f32 to vector<256x64xf32>
    %ge3A_204 = arith.cmpf oge, %add3A_202, %ge3A_203 : vector<256x64xf32>
    %mul3A_205 = arith.constant 0.00999999977 : f32
    %mul3A_206 = vector.broadcast %mul3A_205 : f32 to vector<256x64xf32>
    %mul3A_207 = arith.mulf %mul3A_206, %add3A_202 : vector<256x64xf32>
    %select_n3A = arith.select %ge3A_204, %add3A_202, %mul3A_207 : vector<256x64xi1>, vector<256x64xf32>
    %mul3A_208 = arith.mulf %get3A_3, %add3A_192 : vector<256x64xf32>
    %get3A_209 = arith.constant 0 : index
    %get3A_210 = arith.constant 0 : index
    %get3A_211 = vector.load %arg6[%get3A_209, %get3A_210] : memref<64x64xf32, #tpu.memory_space<vmem>>, vector<64x64xf32>
    %dot_general3A_212 = arith.constant dense<0.000000e+00> : vector<256x64xf32>
    %dot_general3A_213 = tpu.matmul %mul3A_208, %get3A_211, %dot_general3A_212 {dimension_numbers = #tpu.dot_dimension_numbers<[1], [0], [0], [1], [0, 0, 1, 1], [], []>, transpose_lhs_hint = false} : vector<256x64xf32>, vector<64x64xf32>, vector<256x64xf32> -> vector<256x64xf32>
    %get3A_214 = arith.constant 0 : index
    %get3A_215 = arith.constant 0 : index
    %get3A_216 = vector.load %arg7[%get3A_214, %get3A_215] : memref<1x64xf32, #tpu.memory_space<vmem>>, vector<1x64xf32>
    %add3A_217 = vector.broadcast %get3A_216 : vector<1x64xf32> to vector<256x64xf32>
    %add3A_218 = arith.addf %dot_general3A_213, %add3A_217 : vector<256x64xf32>
    %ge3A_219 = arith.constant 0.000000e+00 : f32
    %ge3A_220 = vector.broadcast %ge3A_219 : f32 to vector<256x64xf32>
    %ge3A_221 = arith.cmpf oge, %add3A_218, %ge3A_220 : vector<256x64xf32>
    %mul3A_222 = arith.constant 0.00999999977 : f32
    %mul3A_223 = vector.broadcast %mul3A_222 : f32 to vector<256x64xf32>
    %mul3A_224 = arith.mulf %mul3A_223, %add3A_218 : vector<256x64xf32>
    %select_n3A_225 = arith.select %ge3A_221, %add3A_218, %mul3A_224 : vector<256x64xi1>, vector<256x64xf32>
    %add3A_226 = arith.addf %select_n3A, %select_n3A_225 : vector<256x64xf32>
    %get3A_227 = arith.constant 0 : index
    %get3A_228 = arith.constant 0 : index
    %get3A_229 = vector.load %arg13[%get3A_227, %get3A_228] : memref<1x64xf32, #tpu.memory_space<vmem>>, vector<1x64xf32>
    %reduce_sum3A_230 = arith.constant dense<0.000000e+00> : vector<64xf32>
    %reduce_sum3A_231 = vector.multi_reduction <add>, %add3A_226, %reduce_sum3A_230 [0] : vector<256x64xf32> to vector<64xf32>
    %broadcast_in_dim3A_232 = vector.shape_cast %reduce_sum3A_231 : vector<64xf32> to vector<1x64xf32>
    %add3A_233 = arith.addf %get3A_229, %broadcast_in_dim3A_232 : vector<1x64xf32>
    %swap3A = arith.constant 0 : index
    %swap3A_234 = arith.constant 0 : index
    %swap3A_235 = vector.load %arg13[%swap3A, %swap3A_234] : memref<1x64xf32, #tpu.memory_space<vmem>>, vector<1x64xf32>
    tpu.vector_store %arg13[%swap3A, %swap3A_234], %add3A_233 {strides = array<i32>} : memref<1x64xf32, #tpu.memory_space<vmem>>, vector<1x64xf32>,
    %eq3A_236 = arith.constant 15 : i32
    %eq3A_237 = arith.cmpi eq, %arg0, %eq3A_236 : i32
    %convert_element_type3A_238 = arith.extui %eq3A_237 : i1 to i32
    %cond3A_239 = arith.constant 0 : i32
    %cond3A_240 = arith.cmpi ne, %convert_element_type3A_238, %cond3A_239 : i32
    scf.if %cond3A_240 {
      %get3A_241 = arith.constant 0 : index
      %get3A_242 = arith.constant 0 : index
      %get3A_243 = vector.load %arg13[%get3A_241, %get3A_242] : memref<1x64xf32, #tpu.memory_space<vmem>>, vector<1x64xf32>
      %div3A_244 = arith.constant 4.096000e+03 : f32
      %div3A_245 = vector.broadcast %div3A_244 : f32 to vector<1x64xf32>
      %div3A_246 = arith.divf %get3A_243, %div3A_245 : vector<1x64xf32>
      %reduce_sum3A_247 = arith.constant dense<0.000000e+00> : vector<1xf32>
      %reduce_sum3A_248 = vector.multi_reduction <add>, %div3A_246, %reduce_sum3A_247 [1] : vector<1x64xf32> to vector<1xf32>
      %broadcast_in_dim3A_249 = vector.shape_cast %reduce_sum3A_248 : vector<1xf32> to vector<1x1xf32>
      %div3A_250 = arith.constant 6.400000e+01 : f32
      %div3A_251 = vector.broadcast %div3A_250 : f32 to vector<1x1xf32>
      %div3A_252 = arith.divf %broadcast_in_dim3A_249, %div3A_251 : vector<1x1xf32>
      %sub3A_253 = vector.broadcast %div3A_252 : vector<1x1xf32> to vector<1x64xf32>
      %sub3A_254 = arith.subf %div3A_246, %sub3A_253 : vector<1x64xf32>
      %integer_pow3A = arith.mulf %sub3A_254, %sub3A_254 : vector<1x64xf32>
      %reduce_sum3A_255 = arith.constant dense<0.000000e+00> : vector<1xf32>
      %reduce_sum3A_256 = vector.multi_reduction <add>, %integer_pow3A, %reduce_sum3A_255 [1] : vector<1x64xf32> to vector<1xf32>
      %broadcast_in_dim3A_257 = vector.shape_cast %reduce_sum3A_256 : vector<1xf32> to vector<1x1xf32>
      %div3A_258 = arith.constant 6.400000e+01 : f32
      %div3A_259 = vector.broadcast %div3A_258 : f32 to vector<1x1xf32>
      %div3A_260 = arith.divf %broadcast_in_dim3A_257, %div3A_259 : vector<1x1xf32>
      %sub3A_261 = vector.broadcast %div3A_252 : vector<1x1xf32> to vector<1x64xf32>
      %sub3A_262 = arith.subf %div3A_246, %sub3A_261 : vector<1x64xf32>
      %add3A_263 = arith.constant 9.99999974E-6 : f32
      %add3A_264 = vector.broadcast %add3A_263 : f32 to vector<1x1xf32>
      %add3A_265 = arith.addf %div3A_260, %add3A_264 : vector<1x1xf32>
      %sqrt3A = math.sqrt %add3A_265 : vector<1x1xf32>
      %div3A_266 = vector.broadcast %sqrt3A : vector<1x1xf32> to vector<1x64xf32>
      %div3A_267 = arith.divf %sub3A_262, %div3A_266 : vector<1x64xf32>
      %get3A_268 = arith.constant 0 : index
      %get3A_269 = arith.constant 0 : index
      %get3A_270 = vector.load %arg8[%get3A_268, %get3A_269] : memref<1x64xf32, #tpu.memory_space<vmem>>, vector<1x64xf32>
      %mul3A_271 = arith.mulf %div3A_267, %get3A_270 : vector<1x64xf32>
      %get3A_272 = arith.constant 0 : index
      %get3A_273 = arith.constant 0 : index
      %get3A_274 = vector.load %arg9[%get3A_272, %get3A_273] : memref<1x64xf32, #tpu.memory_space<vmem>>, vector<1x64xf32>
      %add3A_275 = arith.addf %mul3A_271, %get3A_274 : vector<1x64xf32>
      %get3A_276 = arith.constant 0 : index
      %get3A_277 = arith.constant 0 : index
      %get3A_278 = vector.load %arg10[%get3A_276, %get3A_277] : memref<64x2xf32, #tpu.memory_space<vmem>>, vector<64x2xf32>
      %dot_general3A_279 = arith.constant dense<0.000000e+00> : vector<1x2xf32>
      %dot_general3A_280 = tpu.matmul %add3A_275, %get3A_278, %dot_general3A_279 {dimension_numbers = #tpu.dot_dimension_numbers<[1], [0], [0], [1], [0, 0, 1, 1], [], []>, transpose_lhs_hint = false} : vector<1x64xf32>, vector<64x2xf32>, vector<1x2xf32> -> vector<1x2xf32>
      %get3A_281 = arith.constant 0 : index
      %get3A_282 = arith.constant 0 : index
      %get3A_283 = vector.load %arg11[%get3A_281, %get3A_282] : memref<1x2xf32, #tpu.memory_space<vmem>>, vector<1x2xf32>
      %add3A_284 = arith.addf %dot_general3A_280, %get3A_283 : vector<1x2xf32>
      %swap3A_285 = arith.constant 0 : index
      %swap3A_286 = arith.constant 0 : index
      %swap3A_287 = vector.load %arg12[%swap3A_285, %swap3A_286] : memref<1x2xf32, #tpu.memory_space<vmem>>, vector<1x2xf32>
      tpu.vector_store %arg12[%swap3A_285, %swap3A_286], %add3A_284 {strides = array<i32>} : memref<1x2xf32, #tpu.memory_space<vmem>>, vector<1x2xf32>,
    } else {
    }
    return
  }
  func.func @transform_0(%arg0: i32) -> (i32, i32) {
    %c0_i32 = arith.constant 0 : i32
    %c0_i32_0 = arith.constant 0 : i32
    return %arg0, %c0_i32 : i32, i32
  }
  func.func @transform_1(%arg0: i32) -> (i32, i32) {
    %c0_i32 = arith.constant 0 : i32
    %c0_i32_0 = arith.constant 0 : i32
    return %arg0, %c0_i32 : i32, i32
  }
  func.func @transform_2(%arg0: i32) -> (i32, i32, i32) {
    %c0_i32 = arith.constant 0 : i32
    %c0_i32_0 = arith.constant 0 : i32
    %c0_i32_1 = arith.constant 0 : i32
    return %c0_i32, %arg0, %c0_i32_0 : i32, i32, i32
  }
  func.func @transform_3(%arg0: i32) -> (i32, i32) {
    %c0_i32 = arith.constant 0 : i32
    %c0_i32_0 = arith.constant 0 : i32
    %c0_i32_1 = arith.constant 0 : i32
    return %c0_i32, %c0_i32_0 : i32, i32
  }
  func.func @transform_4(%arg0: i32) -> (i32, i32) {
    %c0_i32 = arith.constant 0 : i32
    %c0_i32_0 = arith.constant 0 : i32
    %c0_i32_1 = arith.constant 0 : i32
    return %c0_i32, %c0_i32_0 : i32, i32
  }
  func.func @transform_5(%arg0: i32) -> (i32, i32) {
    %c0_i32 = arith.constant 0 : i32
    %c0_i32_0 = arith.constant 0 : i32
    %c0_i32_1 = arith.constant 0 : i32
    return %c0_i32, %c0_i32_0 : i32, i32
  }
  func.func @transform_6(%arg0: i32) -> (i32, i32) {
    %c0_i32 = arith.constant 0 : i32
    %c0_i32_0 = arith.constant 0 : i32
    %c0_i32_1 = arith.constant 0 : i32
    return %c0_i32, %c0_i32_0 : i32, i32
  }
  func.func @transform_7(%arg0: i32) -> (i32, i32) {
    %c0_i32 = arith.constant 0 : i32
    %c0_i32_0 = arith.constant 0 : i32
    %c0_i32_1 = arith.constant 0 : i32
    return %c0_i32, %c0_i32_0 : i32, i32
  }
  func.func @transform_8(%arg0: i32) -> (i32, i32) {
    %c0_i32 = arith.constant 0 : i32
    %c0_i32_0 = arith.constant 0 : i32
    %c0_i32_1 = arith.constant 0 : i32
    return %c0_i32, %c0_i32_0 : i32, i32
  }
  func.func @transform_9(%arg0: i32) -> (i32, i32) {
    %c0_i32 = arith.constant 0 : i32
    %c0_i32_0 = arith.constant 0 : i32
    %c0_i32_1 = arith.constant 0 : i32
    return %c0_i32, %c0_i32_0 : i32, i32
  }
  func.func @transform_10(%arg0: i32) -> (i32, i32) {
    %c0_i32 = arith.constant 0 : i32
    %c0_i32_0 = arith.constant 0 : i32
    %c0_i32_1 = arith.constant 0 : i32
    return %c0_i32, %c0_i32_0 : i32, i32
  }
  func.func @transform_11(%arg0: i32) -> (i32, i32) {
    %c0_i32 = arith.constant 0 : i32
    %c0_i32_0 = arith.constant 0 : i32
    %c0_i32_1 = arith.constant 0 : i32
    return %c0_i32, %c0_i32_0 : i32, i32
  }
}

</mosaic_0001>

<sc_bundles>
// kernel: kernel.5.cloned.1.call-start
scs
__scs_entry_jumppad:
0x0: {  	(pc) =	sbr.rel $0x88, $3  }
0x1: {  	(tag) =	ssettag $0x0;
	lr =	simm.s32 $0x1  }
0x2: {  	[smem:$0x3F92] =	sst lr;
	_ =	strace $0xD0000000  }
0x3: {  	_ = 	snop  }
0x4: {  	_ = 	snop  }
0x5: {  	_ = 	snop  }
0x6: {  	_ = 	snop  }
0x7: {  	_ = 	snop  }
__scs_overlays_trampoline_lowered:
0x8: {  	[smem:$0x3FA1] =	sst s0  }
0x9: {  	[smem:$0x3FA2] =	sst s1  }
0xa: {  	[smem:$0x3FA3] =	sst s2  }
0xb: {  	[smem:$0x3FA4] =	sst s3  }
0xc: {  	[smem:$0x3FA5] =	sst s4  }
0xd: {  	[smem:$0x3FA6] =	sst s5  }
0xe: {  	[smem:$0x3FA7] =	sst s6  }
0xf: {  	[smem:$0x3FA8] =	sst s7  }
0x10: {  	[smem:$0x3FA9] =	sst s8  }
0x11: {  	[smem:$0x3FAA] =	sst s9;
	s0 =	simm.s32 @!p0 $0x0  }
0x12: {  	s1 =	sld [smem:$0x3F90];
	s0 =	simm.s32 @p0 $0x1  }
0x13: {  	[smem:$0x3FAB] =	sst s0;
	s0 =	simm.s32 @!p1 $0x0  }
0x14: {  	s2 =	sld [smem:$0x3F8F];
	s0 =	simm.s32 @p1 $0x1  }
0x15: {  	[smem:$0x3FAC] =	sst s0;
	s0 =	simm.s32 @!p2 $0x0  }
0x16: {  	s3 =	sld [smem:$0x3FDB];
	s0 =	simm.s32 @p2 $0x1  }
0x17: {  	s4 =	simm.s32 $0x1BF5;
	[smem:$0x3FAE] =	sst s0  }
0x18: {  	s0 =	sld [smem:$0x3F91];
	_ =	swait.ge [sflag:s4], $0x0  }
0x19: {  	s7 =	sld [smem:$0x3F92]  }
0x1a: {  	s8 =	sadd.s32 $0xFFFFE003, lr  }
0x1b: {  	s9 =	sadd.s32 $0xFFFFFEF7, lr;
	s5 =	simm.s32 $0xFFFFFFFF;
	p2 =	slt.u32 s8, $0xFFFFF086  }
0x1c: {  	p1 =	slt.u32 s9, $0xF7A;
	s5 =	simm.s32 @!p2 $0x0  }
0x1d: {  	s5 =	simm.s32 @p1 $0x1;
	p0 =	seq.s32 s7, s2  }
0x1e: {  	s7 =	smul.u32 @!p0 $0xF7A, s2;
	p2 =	seq.s32 @!p0 s5, $0x0  }
0x1f: {  	s9 =	smul.u32 $0xF7A, s1;
	s8 =	simm.s32 @!p0 $0x1BF5;
	p2 =	por !p2, p0  }
0x20: {  	[sflag:s8] =	ssyncset.s32 @!p0 $0xFFFFF086;
	s6 =	sadd.s32 @!p0 s3, s7;
	s7 =	simm.s32 @!p0 $0x108  }
0x21: {  	s3 =	sadd.s32 s3, s9;
	s6 =	sadd.s32 @!p0 $0x88, s6;
	s7 =	simm.s32 @p2 $0x1082  }
0x22: {  	[simem:s7], [sflag:s8] =	dma.local @!p0 [hbm:s6], $0xF7A  }
0x23: {  	s9 =	sor.u32 $0xD0000000, s2;
	s6 =	simm.s32 $0x108;
	_ =	swait.ge @!p0 [sflag:s8], $0x0  }
0x24: {  	s3 =	sadd.s32 $0x88, s3;
	s6 =	simm.s32 @!p1 $0x1082;
	[sflag:s4] =	ssyncset.s32 $0xFFFFF086  }
0x25: {  	[simem:s6], [sflag:s4] =	dma.local [hbm:s3], $0xF7A  }
0x26: {  	[smem:$0x3F92] =	sst s1;
	(tag) =	ssettag s2;
	_ =	strace s9  }
0x27: {  	s1 =	sld [smem:$0x3FA2]  }
0x28: {  	s2 =	sld [smem:$0x3FA3]  }
0x29: {  	s4 =	sld [smem:$0x3FA5]  }
0x2a: {  	p0 =	seq.s32 s5, $0x0;
	s5 =	sld [smem:$0x3FA6]  }
0x2b: {  	s6 =	sld [smem:$0x3FA7]  }
0x2c: {  	s7 =	sld [smem:$0x3FA8]  }
0x2d: {  	s3 =	simm.s32 $0x108;
	s8 =	sld [smem:$0x3FA9]  }
0x2e: {  	s3 =	simm.s32 @!p0 $0x1082;
	s9 =	sld [smem:$0x3FAA]  }
0x2f: {  	lr =	sadd.s32 s0, s3;
	s0 =	sld [smem:$0x3FA1]  }
0x30: {  	s3 =	sld [smem:$0x3FA4]  }
0x31: {  	[smem:$0x3FAD] =	sst s10  }
0x32: {  	s10 =	sld [smem:$0x3FAB];
	_ =	sdelay $0x3  }
0x33: {  	p0 =	seq.s32 s10, $0x1;
	s10 =	sld [smem:$0x3FAD];
	_ =	sdelay $0x3  }
0x34: {  	[smem:$0x3FAD] =	sst s10  }
0x35: {  	s10 =	sld [smem:$0x3FAC];
	_ =	sdelay $0x3  }
0x36: {  	p1 =	seq.s32 s10, $0x1;
	s10 =	sld [smem:$0x3FAD];
	_ =	sdelay $0x3  }
0x37: {  	[smem:$0x3FAD] =	sst s10  }
0x38: {  	s10 =	sld [smem:$0x3FAE]  }
0x39: {  	_ = 	snop;
	(pc) =	sbr.ind lr, $3  }
0x3a: {  	_ = 	snop  }
0x3b: {  	_ = 	snop  }
0x3c: {  	p2 =	seq.s32 s10, $0x1;
	s10 =	sld [smem:$0x3FAD]  }
0x3d: {  	_ =	shalt  }
0x3e: {  	_ =	shalt  }
0x3f: {  	_ =	shalt  }
0x40: {  	_ =	shalt  }
0x41: {  	_ =	shalt  }
0x42: {  	_ =	shalt  }
0x43: {  	_ =	shalt  }
0x44: {  	_ =	shalt  }
0x45: {  	_ =	shalt  }
0x46: {  	_ =	shalt  }
0x47: {  	_ =	shalt  }
0x48: {  	_ =	shalt  }
0x49: {  	_ =	shalt  }
0x4a: {  	_ =	shalt  }
0x4b: {  	_ =	shalt  }
0x4c: {  	_ =	shalt  }
0x4d: {  	_ =	shalt  }
0x4e: {  	_ =	shalt  }
0x4f: {  	_ =	shalt  }
0x50: {  	_ =	shalt  }
0x51: {  	_ =	shalt  }
0x52: {  	_ =	shalt  }
0x53: {  	_ =	shalt  }
0x54: {  	_ =	shalt  }
0x55: {  	_ =	shalt  }
0x56: {  	_ =	shalt  }
0x57: {  	_ =	shalt  }
0x58: {  	_ =	shalt  }
0x59: {  	_ =	shalt  }
0x5a: {  	_ =	shalt  }
0x5b: {  	_ =	shalt  }
0x5c: {  	_ =	shalt  }
0x5d: {  	_ =	shalt  }
0x5e: {  	_ =	shalt  }
0x5f: {  	_ =	shalt  }
0x60: {  	_ =	shalt  }
0x61: {  	_ =	shalt  }
0x62: {  	_ =	shalt  }
0x63: {  	_ =	shalt  }
0x64: {  	_ =	shalt  }
0x65: {  	_ =	shalt  }
0x66: {  	_ =	shalt  }
0x67: {  	_ =	shalt  }
0x68: {  	_ =	shalt  }
0x69: {  	_ =	shalt  }
0x6a: {  	_ =	shalt  }
0x6b: {  	_ =	shalt  }
0x6c: {  	_ =	shalt  }
0x6d: {  	_ =	shalt  }
0x6e: {  	_ =	shalt  }
0x6f: {  	_ =	shalt  }
0x70: {  	_ =	shalt  }
0x71: {  	_ =	shalt  }
0x72: {  	_ =	shalt  }
0x73: {  	_ =	shalt  }
0x74: {  	_ =	shalt  }
0x75: {  	_ =	shalt  }
0x76: {  	_ =	shalt  }
0x77: {  	_ =	shalt  }
0x78: {  	_ =	shalt  }
0x79: {  	_ =	shalt  }
0x7a: {  	_ =	shalt  }
0x7b: {  	_ =	shalt  }
0x7c: {  	_ =	shalt  }
0x7d: {  	_ =	shalt  }
0x7e: {  	_ =	shalt  }
0x7f: {  	_ =	shalt  }
0x80: {  	_ =	shalt  }
0x81: {  	_ =	shalt  }
0x82: {  	_ =	shalt  }
0x83: {  	_ =	shalt  }
0x84: {  	_ =	shalt  }
0x85: {  	_ =	shalt  }
0x86: {  	_ =	shalt  }
0x87: {  	_ =	shalt  }
.Lfunc_end0:
.L_simem_size_0:
called_computation_lowered:
.L_overlay_start_0:
0x88: {  	s2 =	sld [smem:$0x3FD9]  }
0x89: {  	s3 =	sld [smem:$0x3FFE];
	_ =	sdelay $0x1  }
0x8a: {  	s1 =	srdreg.scid  }
0x8b: {  	s0 =	sand.u32 $0x1, s1  }
0x8c: {  	s16 =	sshll.u32 s0, $0xA;
	s2 =	sadd.s32 s3, s2  }
0x8d: {  	s2 =	sadd.s32 s2, s16  }
0x8e: {  	[smem:$0x3FB9] =	sst s2  }
0x8f: {  	_ = 	snop  }
0x90: {  	(tm) =	ssettm $0x1  }
0x91: {  	s17 =	sld [smem:$0x3FFB];
	_ =	sdelay $0x3  }
0x92: {  	_ =	strace s17  }
0x93: {  	s2 =	sld [smem:$0x3FFC];
	_ =	sdelay $0x3  }
0x94: {  	_ =	strace s2  }
0x95: {  	s2 =	sld [smem:$0x3FFD];
	_ =	sdelay $0x3  }
0x96: {  	_ =	strace s2  }
0x97: {  	_ =	strace $0x8FFFFFFF  }
0x98: {  	s18 =	sld [smem:$0x3FDB];
	_ =	sdelay $0x1  }
0x99: {  	s19 =	simm.s32 $_scs_section_size  }
0x9a: {  	s4 =	simm.s32 $_size__tile_overlayer_lowered;
	s5 =	simm.s32 $_tile_overlayer_lowered  }
0x9b: {  	s22 =	simm.s32 $0x1BFF;
	s21 =	sshll.u32 s5, $0x1;
	s2 =	sadd.s32 s19, s18  }
0x9c: {  	s6 =	simm.s32 $0x0;
	s20 =	sshll.u32 s4, $0x1;
	s4 =	sadd.s32 s21, s2  }
0x9d: {  	[timem:s6], [sflag:s22] =	dma.local [hbm:s4], s20  }
0x9e: {  	_ =	swait.ge [sflag:s22], s20  }
0x9f: {  	s3 =	ssub.s32 $0x0, s20;
	[sflag:s22] =	ssyncset.done $0x0  }
0xa0: {  	[sflag:s22] =	ssyncadd.s32 s3;
	_ =	sdelay $0x1  }
0xa1: {  	s23 =	simm.s32 $0x1B8B  }
0xa2: {  	_ =	swait.ge [sflag:s23], $0x1  }
0xa3: {  	[sflag:s23] =	ssyncset.done $0x0  }
0xa4: {  	s25 =	simm.s32 $0x1B8E;
	s24 =	sld [smem:$0x3FFE];
	[sflag:s23] =	ssyncadd.s32 $0xFFFFFFFF  }
0xa5: {  	s26 =	simm.s32 $execute0_lowered;
	[smem:$0x3FD2] =	sst s25  }
0xa6: {  	s4 =	sshll.u32 s26, $0x1;
	_ =	strace $0x80000046;
	[dreg:$0x1] =	wrdreg $0xFFFFFFFF  }
0xa7: {  	s28 =	simm.s32 $_size_execute0_lowered;
	s2 =	sadd.s32 s2, s4;
	[dreg:$0x0] =	wrdreg $0x0  }
0xa8: {  	s4 =	sshll.u32 s28, $0x1;
	[dreg:$0x2] =	wrdreg s2  }
0xa9: {  	[dreg:$0x3] =	wrdreg s4  }
0xaa: {  	[dreg:$0x4] =	wrdreg $0xC0  }
0xab: {  	_ =	task [dreg:s6], $0x5FFFF  }
0xac: {  	[dreg:$0x1] =	wrdreg $0xFFFFFFFF  }
0xad: {  	[dreg:$0x0] =	wrdreg $0x60  }
0xae: {  	[dreg:$0x2] =	wrdreg s24  }
0xaf: {  	[dreg:$0x3] =	wrdreg $0x9  }
0xb0: {  	_ =	task.clear_ibuf [dreg:s6], $0x4FFFF;
	_ =	strace $0x90000046  }
0xb1: {  	s29 =	simm.s32 $0x9;
	_ =	strace $0x80000048  }
0xb2: {  	_ =	swait.ge [sflag:s29], $0x1  }
0xb3: {  	[sflag:s29] =	ssyncadd.s32 $0xFFFFFFFF  }
0xb4: {  	_ =	strace $0x90000048  }
0xb5: {  	_ =	sfence  }
0xb6: {  	s30 =	sld [smem:$0x0];
	_ =	sdelay $0x2  }
0xb7: {  	s31 =	sshll.u32 s1, $0xD;
	s1 =	sshrl.u32 s1, $0x2  }
0xb8: {  	s3 =	sand.u32 $0x4000, s31;
	s1 =	sadd.s32 s1, s30  }
0xb9: {  	s0 =	sor.u32 s3, s0;
	s1 =	sshll.u32 s1, $0x11  }
0xba: {  	s0 =	sor.u32 s1, s0  }
0xbb: {  	s0 =	sadd.s32 $0x8F2B, s0  }
0xbc: {  	[sflag:s0] =	ssyncadd.remote.s32 $0x1  }
0xbd: {  	_ =	sfence.sel $0xFFFF  }
0xbe: {  	[dreg:$0x0] =	wrdreg $0xFFFFFFFF;
	(pc) =	sbr.abs _section_cstart, $3  }
0xbf: {  	[dreg:$0x1] =	wrdreg $0xFFFFFFFF  }
0xc0: {  	_ =	task.clear_ibuf [dreg:s6], $0x2FFFF;
	_ =	strace $0x9FFFFFFF  }
0xc1: {  	(tm) =	ssettm $0x7FFFFFFF  }
tec
execute0_lowered:
.L_overlay_start_1:
0x0: {  	(tag) =	ssettag $0x1  }
0x1: {  	s1 =	srdreg.scid;
	s0 =	stileid.u32  }
0x2: {  	s18 =	sand.u32 $0x1, s1;
	s29 =	sshll.u32 s0, $0x1  }
0x3: {  	s19 =	sor.u32 s18, s29  }
0x4: {  	s20 =	rddreg [dreg:$0x0];
	s3 =	smul.u32 $0x60, s19  }
0x5: {  	s2 =	simm.s32 $0x0;
	s1 =	rddreg [dreg:$0x1]  }
0x6: {  	[smem:$0x7FF] =	sst s2;
	s3 =	sadd.s32 s3, s20  }
0x7: {  	_ =	strace $0x80000047;
	s4 =	sadd.s32 $0x9E00, s3;
	s3 =	simm.s32 $0x2  }
0x8: {  	[tilespmem:s2], [sflag:$0x2] =	stream.linear.gather [hbm4b:s4+s2], $0x300, $0x38;
	[tilespmem:$0xC300] =	vst v63  }
0x9: {  	_ =	swait.ge [sflag:s3], $0x300  }
0xa: {  	s6 =	simm.s32 $0x80;
	[sflag:s3] =	ssyncset.done $0x0  }
0xb: {  	s7 =	simm.s32 $0x300;
	s5 =	sadd.s32 $0x1E00, s20;
	[sflag:s3] =	ssyncadd.s32 $0xFFFFFD00  }
0xc: {  	[tilespmem:s7], [sflag:$0x1] =	stream.indirect.gather [hbm4b:s5+s6], $0x40, s2, s6, $0xb8;
	[tilespmem:$0xC300] =	vst v63  }
0xd: {  	s8 =	simm.s32 $0x2300  }
0xe: {  	[tilespmem:s8], [sflag:$0x1] =	stream.indirect.gather [hbm4b:s5+s6], $0x40, s6, s6, $0xb8;
	[tilespmem:$0xC300] =	vst v63  }
0xf: {  	s9 =	simm.s32 $0x100;
	s10 =	simm.s32 $0x4300  }
0x10: {  	[tilespmem:s10], [sflag:$0x1] =	stream.indirect.gather [hbm4b:s5+s6], $0x40, s9, s6, $0xb8;
	[tilespmem:$0xC300] =	vst v63  }
0x11: {  	s11 =	simm.s32 $0x180;
	s12 =	simm.s32 $0x6300  }
0x12: {  	[tilespmem:s12], [sflag:$0x1] =	stream.indirect.gather [hbm4b:s5+s6], $0x40, s11, s6, $0xb8;
	[tilespmem:$0xC300] =	vst v63  }
0x13: {  	s13 =	simm.s32 $0x200;
	s14 =	simm.s32 $0x8300  }
0x14: {  	[tilespmem:s14], [sflag:$0x1] =	stream.indirect.gather [hbm4b:s5+s6], $0x40, s13, s6, $0xb8;
	[tilespmem:$0xC300] =	vst v63  }
0x15: {  	s15 =	simm.s32 $0x280;
	s16 =	simm.s32 $0xA300;
	s17 =	simm.s32 $0x1  }
0x16: {  	[tilespmem:s16], [sflag:$0x1] =	stream.indirect.gather [hbm4b:s5+s6], $0x40, s15, s6, $0xb8;
	[tilespmem:$0xC300] =	vst v63  }
0x17: {  	_ =	swait.ge [sflag:s17], $0x2000  }
0x18: {  	[sflag:s17] =	ssyncset.done $0x0  }
0x19: {  	[sflag:s17] =	ssyncadd.s32 $0xFFFFE000  }
0x1a: {  	_ =	swait.ge [sflag:s17], $0x2000  }
0x1b: {  	[sflag:s17] =	ssyncset.done $0x0  }
0x1c: {  	[sflag:s17] =	ssyncadd.s32 $0xFFFFE000  }
0x1d: {  	_ =	swait.ge [sflag:s17], $0x2000  }
0x1e: {  	[sflag:s17] =	ssyncset.done $0x0  }
0x1f: {  	[sflag:s17] =	ssyncadd.s32 $0xFFFFE000  }
0x20: {  	_ =	swait.ge [sflag:s17], $0x2000  }
0x21: {  	[sflag:s17] =	ssyncset.done $0x0  }
0x22: {  	s18 =	ssub.s32 $0x2, s18;
	[sflag:s17] =	ssyncadd.s32 $0xFFFFE000  }
0x23: {  	s21 =	sshrl.u32 s18, $0x1;
	_ =	swait.ge [sflag:s17], $0x2000  }
0x24: {  	s30 =	ssub.s32 s18, s21;
	[sflag:s17] =	ssyncset.done $0x0  }
0x25: {  	s19 =	smul.u32 $0x1800, s19;
	s31 =	smax.u32 s30, $0x1;
	[sflag:s17] =	ssyncadd.s32 $0xFFFFE000  }
0x26: {  	p0 =	sne.s32 s31, $0x1;
	_ =	swait.ge [sflag:s17], $0x2000  }
.Ltmp0:
0x27: {  	s19 =	sadd.s32 s19, s20;
	[sflag:s17] =	ssyncset.done $0x0;
	(pc) =	sbr.rel @!p0 .LBB2_2-.Ltmp0, $4  }
0x28: {  	s18 =	sadd.s32 $0xAA00, s19;
	[sflag:s17] =	ssyncadd.s32 $0xFFFFE000  }
0x29: {  	[hbm4b:s18+s2] =	stream.linear.scatter [tilespmem:s7], [sflag:$0x2], $0xC000, $0x38;
	[tilespmem:$0xC300] =	vst v63  }
0x2a: {  	_ =	swait.ge [sflag:s3], $0xC000  }
0x2b: {  	s19 =	sadd.s32 $0xFFFFFFFF, s31;
	[sflag:s3] =	ssyncset.done $0x0  }
.LBB2_1:
0x2c: {  	p0 =	sne.s32 s19, $0x1;
	s19 =	sadd.s32 $0xFFFFFFFF, s19;
	[sflag:s3] =	ssyncadd.s32 $0xFFFF4000  }
0x2d: {  	[tilespmem:s2], [sflag:$0x2] =	stream.linear.gather [hbm4b:s4+s2], $0x300, $0x38;
	[tilespmem:$0xC300] =	vst v63  }
0x2e: {  	_ =	swait.ge [sflag:s3], $0x300  }
0x2f: {  	[sflag:s3] =	ssyncset.done $0x0  }
0x30: {  	[sflag:s3] =	ssyncadd.s32 $0xFFFFFD00  }
0x31: {  	[tilespmem:s7], [sflag:$0x1] =	stream.indirect.gather [hbm4b:s5+s6], $0x40, s2, s6, $0xb8;
	[tilespmem:$0xC300] =	vst v63  }
0x32: {  	_ = 	snop  }
0x33: {  	[tilespmem:s8], [sflag:$0x1] =	stream.indirect.gather [hbm4b:s5+s6], $0x40, s6, s6, $0xb8;
	[tilespmem:$0xC300] =	vst v63  }
0x34: {  	_ = 	snop  }
0x35: {  	[tilespmem:s10], [sflag:$0x1] =	stream.indirect.gather [hbm4b:s5+s6], $0x40, s9, s6, $0xb8;
	[tilespmem:$0xC300] =	vst v63  }
0x36: {  	_ = 	snop  }
0x37: {  	[tilespmem:s12], [sflag:$0x1] =	stream.indirect.gather [hbm4b:s5+s6], $0x40, s11, s6, $0xb8;
	[tilespmem:$0xC300] =	vst v63  }
0x38: {  	_ = 	snop  }
0x39: {  	[tilespmem:s14], [sflag:$0x1] =	stream.indirect.gather [hbm4b:s5+s6], $0x40, s13, s6, $0xb8;
	[tilespmem:$0xC300] =	vst v63  }
0x3a: {  	_ = 	snop  }
0x3b: {  	[tilespmem:s16], [sflag:$0x1] =	stream.indirect.gather [hbm4b:s5+s6], $0x40, s15, s6, $0xb8;
	[tilespmem:$0xC300] =	vst v63  }
0x3c: {  	_ =	swait.ge [sflag:s17], $0x2000  }
0x3d: {  	[sflag:s17] =	ssyncset.done $0x0  }
0x3e: {  	[sflag:s17] =	ssyncadd.s32 $0xFFFFE000  }
0x3f: {  	_ =	swait.ge [sflag:s17], $0x2000  }
0x40: {  	[sflag:s17] =	ssyncset.done $0x0  }
0x41: {  	[sflag:s17] =	ssyncadd.s32 $0xFFFFE000  }
0x42: {  	_ =	swait.ge [sflag:s17], $0x2000  }
0x43: {  	[sflag:s17] =	ssyncset.done $0x0  }
0x44: {  	[sflag:s17] =	ssyncadd.s32 $0xFFFFE000  }
0x45: {  	_ =	swait.ge [sflag:s17], $0x2000  }
0x46: {  	[sflag:s17] =	ssyncset.done $0x0  }
0x47: {  	[sflag:s17] =	ssyncadd.s32 $0xFFFFE000  }
0x48: {  	_ =	swait.ge [sflag:s17], $0x2000  }
0x49: {  	[sflag:s17] =	ssyncset.done $0x0  }
0x4a: {  	[sflag:s17] =	ssyncadd.s32 $0xFFFFE000  }
0x4b: {  	_ =	swait.ge [sflag:s17], $0x2000  }
.Ltmp1:
0x4c: {  	[sflag:s17] =	ssyncset.done $0x0;
	(pc) =	sbr.rel @p0 .LBB2_1-.Ltmp1, $4  }
0x4d: {  	[sflag:s17] =	ssyncadd.s32 $0xFFFFE000  }
0x4e: {  	[hbm4b:s18+s2] =	stream.linear.scatter [tilespmem:s7], [sflag:$0x2], $0xC000, $0x38;
	[tilespmem:$0xC300] =	vst v63  }
0x4f: {  	_ =	swait.ge [sflag:s3], $0xC000  }
0x50: {  	[sflag:s3] =	ssyncset.done $0x0  }
.LBB2_2:
0x51: {  	[sflag:s3] =	ssyncadd.s32 $0xFFFF4000  }
0x52: {  	_ =	sfence.sel $0x180000  }
0x53: {  	[bflag:$0x0] =	sbarrier.arrive $0xFFFF  }
0x54: {  	p0 =	sne.s32 s0, $0x0;
	_ =	strace $0x90000047  }
0x55: {  	s0 =	sadd.s32 @!p0 $0x100000, s1;
	[bflag:$0x2] =	sbarrier.arrive $0xFFFF  }
0x56: {  	[sflag:s0] =	ssyncadd.tile.s32 @!p0 $0x1;
	_ =	shalt  }
.Lfunc_end2:
_tile_overlayer_lowered:
.L_overlay_start_2:
0x57: {  	(tag) =	ssettag $0x2  }
0x58: {  	s0 =	rddreg [dreg:$0x0];
	s2 =	stileid.u32  }
0x59: {  	s1 =	rddreg [dreg:$0x1];
	p0 =	sne.s32 s2, $0x0  }
0x5a: {  	s3 =	rddreg [dreg:$0x2];
	[bflag:$0x3] =	sbarrier.arrive $0xFFFF;
	s2 =	simm.s32 @!p0 $0x1C02  }
0x5b: {  	[timem:s3], [sflag:s2] =	dma.local @!p0 [hbm:s0], s1  }
0x5c: {  	s0 =	simm.s32 @!p0 $0x2  }
0x5d: {  	_ =	swait.ge @!p0 [sflag:s0], s1  }
0x5e: {  	s1 =	ssub.s32 @!p0 $0x0, s1;
	[sflag:s0] =	ssyncset.done @!p0 $0x0  }
0x5f: {  	[sflag:s0] =	ssyncadd.s32 @!p0 s1  }
0x60: {  	[bflag:$0x3] =	sbarrier.arrive $0xFFFF  }
0x61: {  	_ =	shalt  }

</sc_bundles>
